<compile_context>
chip_gen: v7x
topology: tpu7x:2x2x1
jax: 0.10.2.dev20260603
libtpu: 0.0.44.dev20260713+nightly
codegen_flags: <defaults>
</compile_context>

<pallas_src>
import functools

import jax
import jax.numpy as jnp
from jax import lax
from jax.experimental import pallas as pl
from jax.experimental.pallas import tpu as pltpu
from jax.experimental.pallas import tpu_sc as plsc

N_N = 10000
D_F = 256
N_E = 160000
HALF = 128
N_PAD = 10240
E_PAD = 163840
CH = 128
CPT = E_PAD // CH // 16
RPT = N_PAD // 16
RCH = RPT // CH

_SC_MESH = plsc.VectorSubcoreMesh(core_axis_name="c", subcore_axis_name="s")


def _fill(ref, n, value):
    val = jnp.full((16,), value, jnp.float32)

    def body(i, _):
        ref[pl.ds(i * 16, 16)] = val
        return 0

    lax.fori_loop(0, n // 16, body, 0)


CPT_DEG = CPT // 2


def _deg_body(dst2d, deg0_out, deg1_out, didx, ones, dbuf, shared_deg):
    c = lax.axis_index("c")
    s = lax.axis_index("s")

    def run(deg_out):
        _fill(ones, CH, 1.0)
        _fill(dbuf, RPT, 0.0)
        pltpu.sync_copy(dbuf, shared_deg.at[pl.ds(s * RPT, RPT)])
        base = c * (E_PAD // CH // 2) + s * CPT_DEG
        pltpu.sync_copy(dst2d.at[pl.ds(base, CPT_DEG), :], didx)
        plsc.subcore_barrier()

        def body(j, _):
            pltpu.sync_copy(ones, shared_deg.at[didx.at[j]], add=True)
            return 0

        lax.fori_loop(0, CPT_DEG, body, 0)
        plsc.subcore_barrier()
        pltpu.sync_copy(shared_deg.at[pl.ds(s * RPT, RPT)], dbuf)
        pltpu.sync_copy(dbuf, deg_out.at[pl.ds(s * RPT, RPT)])

    @pl.when(c == 0)
    def _():
        run(deg0_out)

    @pl.when(c == 1)
    def _():
        run(deg1_out)


_deg_call = functools.partial(
    pl.kernel,
    out_type=(
        jax.ShapeDtypeStruct((N_PAD,), jnp.float32),
        jax.ShapeDtypeStruct((N_PAD,), jnp.float32),
    ),
    mesh=_SC_MESH,
    scratch_types=[
        pltpu.VMEM((CPT_DEG, CH), jnp.int32),
        pltpu.VMEM((CH,), jnp.float32),
        pltpu.VMEM((RPT,), jnp.float32),
        pltpu.VMEM_SHARED((N_PAD,), jnp.float32),
    ],
)(_deg_body)


PHC = CPT // 2


def _agg_body(src2d, dst2d, ga, gb, agga, aggb, sidx, didx, rows0, rows1,
              shared_agg, gsem0, gsem1):
    c = lax.axis_index("c")
    s = lax.axis_index("s")

    def run(g_hbm, agg_hbm):
        base = s * RPT
        pltpu.sync_copy(g_hbm.at[pl.ds(base, RPT), :],
                        shared_agg.at[pl.ds(base, RPT), :])
        plsc.subcore_barrier()

        def phase(p, _):
            base = s * CPT + p * PHC
            pltpu.sync_copy(src2d.at[pl.ds(base, PHC), :], sidx)
            pltpu.sync_copy(dst2d.at[pl.ds(base, PHC), :], didx)
            pltpu.async_copy(g_hbm.at[sidx.at[0]], rows0, gsem0)
            pltpu.async_copy(g_hbm.at[sidx.at[1]], rows1, gsem1)

            def body(i, _):
                j0 = 2 * i
                j1 = j0 + 1
                pltpu.make_async_copy(
                    g_hbm.at[sidx.at[j0]], rows0, gsem0).wait()
                pltpu.sync_copy(rows0, shared_agg.at[didx.at[j0]], add=True)

                @pl.when(j0 + 2 < PHC)
                def _():
                    pltpu.async_copy(g_hbm.at[sidx.at[j0 + 2]], rows0, gsem0)

                pltpu.make_async_copy(
                    g_hbm.at[sidx.at[j1]], rows1, gsem1).wait()
                pltpu.sync_copy(rows1, shared_agg.at[didx.at[j1]], add=True)

                @pl.when(j1 + 2 < PHC)
                def _():
                    pltpu.async_copy(g_hbm.at[sidx.at[j1 + 2]], rows1, gsem1)

                return 0

            lax.fori_loop(0, PHC // 2, body, 0)
            return 0

        lax.fori_loop(0, CPT // PHC, phase, 0)
        plsc.subcore_barrier()

        pltpu.sync_copy(shared_agg.at[pl.ds(base, RPT), :],
                        agg_hbm.at[pl.ds(base, RPT), :])

    @pl.when(c == 0)
    def _():
        run(ga, agga)

    @pl.when(c == 1)
    def _():
        run(gb, aggb)


_agg_call = functools.partial(
    pl.kernel,
    out_type=(
        jax.ShapeDtypeStruct((N_PAD, HALF), jnp.float32),
        jax.ShapeDtypeStruct((N_PAD, HALF), jnp.float32),
    ),
    mesh=_SC_MESH,
    scratch_types=[
        pltpu.VMEM((PHC, CH), jnp.int32),
        pltpu.VMEM((PHC, CH), jnp.int32),
        pltpu.VMEM((CH, HALF), jnp.float32),
        pltpu.VMEM((CH, HALF), jnp.float32),
        pltpu.VMEM_SHARED((N_PAD, HALF), jnp.float32),
        pltpu.SemaphoreType.DMA,
        pltpu.SemaphoreType.DMA,
    ],
)(_agg_body)


_ROWS = 2048
_GRID = N_PAD // _ROWS


def _mm_body(deg0_ref, deg1_ref, x_ref, w_ref, ga_ref, gb_ref, dinv_ref):
    dinv = lax.rsqrt(deg0_ref[...] + deg1_ref[...] + 1.0)
    h = jnp.dot(x_ref[...], w_ref[...], preferred_element_type=jnp.float32)
    g = h * dinv
    ga_ref[...] = g[:, :HALF]
    gb_ref[...] = g[:, HALF:]
    dinv_ref[...] = dinv


_mm_call = pl.pallas_call(
    _mm_body,
    grid=(_GRID,),
    in_specs=[
        pl.BlockSpec((_ROWS, 1), lambda i: (i, 0)),
        pl.BlockSpec((_ROWS, 1), lambda i: (i, 0)),
        pl.BlockSpec((_ROWS, D_F), lambda i: (i, 0)),
        pl.BlockSpec((D_F, D_F), lambda i: (0, 0)),
    ],
    out_specs=[
        pl.BlockSpec((_ROWS, HALF), lambda i: (i, 0)),
        pl.BlockSpec((_ROWS, HALF), lambda i: (i, 0)),
        pl.BlockSpec((_ROWS, 1), lambda i: (i, 0)),
    ],
    out_shape=[
        jax.ShapeDtypeStruct((N_PAD, HALF), jnp.float32),
        jax.ShapeDtypeStruct((N_PAD, HALF), jnp.float32),
        jax.ShapeDtypeStruct((N_PAD, 1), jnp.float32),
    ],
)


def _post_body(x_ref, aa_ref, ab_ref, dinv_ref, bc_ref, lg_ref, lb_ref,
               wnn_ref, bnn_ref, out_ref):
    agg = jnp.concatenate([aa_ref[...], ab_ref[...]], axis=1)
    pre = agg * dinv_ref[...] + bc_ref[...]
    mu = jnp.mean(pre, axis=1, keepdims=True)
    d = pre - mu
    var = jnp.mean(d * d, axis=1, keepdims=True)
    ln = d * lax.rsqrt(var + 1e-5) * lg_ref[...] + lb_ref[...]
    r = jnp.maximum(x_ref[...] + ln, 0.0)
    out_ref[...] = (
        jnp.dot(r, wnn_ref[...], preferred_element_type=jnp.float32)
        + bnn_ref[...]
    )


_post_call = pl.pallas_call(
    _post_body,
    grid=(_GRID,),
    in_specs=[
        pl.BlockSpec((_ROWS, D_F), lambda i: (i, 0)),
        pl.BlockSpec((_ROWS, HALF), lambda i: (i, 0)),
        pl.BlockSpec((_ROWS, HALF), lambda i: (i, 0)),
        pl.BlockSpec((_ROWS, 1), lambda i: (i, 0)),
        pl.BlockSpec((1, D_F), lambda i: (0, 0)),
        pl.BlockSpec((1, D_F), lambda i: (0, 0)),
        pl.BlockSpec((1, D_F), lambda i: (0, 0)),
        pl.BlockSpec((D_F, D_F), lambda i: (0, 0)),
        pl.BlockSpec((1, D_F), lambda i: (0, 0)),
    ],
    out_specs=pl.BlockSpec((_ROWS, D_F), lambda i: (i, 0)),
    out_shape=jax.ShapeDtypeStruct((N_PAD, D_F), jnp.float32),
)


def kernel(x, edge_index, W_conv, b_conv, ln_gamma, ln_beta, W_nn, b_nn):
    ei = edge_index.astype(jnp.int32)
    src2d = jnp.concatenate(
        [ei[0], jnp.zeros((E_PAD - N_E,), jnp.int32)]).reshape(E_PAD // CH, CH)
    dst2d = jnp.concatenate(
        [ei[1], jnp.full((E_PAD - N_E,), N_PAD - 1, jnp.int32)]
    ).reshape(E_PAD // CH, CH)

    x_pad = jnp.pad(x, ((0, N_PAD - N_N), (0, 0)))
    deg0, deg1 = _deg_call(dst2d)
    ga, gb, dinv = _mm_call(
        deg0.reshape(N_PAD, 1), deg1.reshape(N_PAD, 1), x_pad, W_conv)
    agga, aggb = _agg_call(src2d, dst2d, ga, gb)
    out = _post_call(
        x_pad, agga, aggb, dinv,
        b_conv.reshape(1, D_F), ln_gamma.reshape(1, D_F),
        ln_beta.reshape(1, D_F), W_nn, b_nn.reshape(1, D_F),
    )
    return out[:N_N]

# --- scband reference (transcript-rebuilt; emitter-appended) ---
"""Pipeline reference for scband-conv-wrapper-30339648979468 (READ-ONLY COPY).

The authoritative reference and input builder live on the scoring server;
editing this copy changes nothing except your own understanding.
"""

import jax, jax.numpy as jnp
import numpy as np

N_NODES = 10000
D_FEAT = 256
N_EDGES = 160000


def setup_inputs(seed: int = 0) -> dict:
    key = jax.random.key(seed)
    ks = jax.random.split(key, 8)
    x = jax.random.normal(ks[0], (N_NODES, D_FEAT), dtype=jnp.float32)
    edge_index = jax.random.randint(ks[1], (2, N_EDGES), 0, N_NODES, dtype=jnp.int64)
    scale = 1.0 / np.sqrt(D_FEAT)
    W_conv = jax.random.normal(ks[2], (D_FEAT, D_FEAT), dtype=jnp.float32) * scale
    b_conv = jnp.zeros((D_FEAT,), dtype=jnp.float32)
    ln_gamma = jnp.ones((D_FEAT,), dtype=jnp.float32)
    ln_beta = jnp.zeros((D_FEAT,), dtype=jnp.float32)
    W_nn = jax.random.normal(ks[3], (D_FEAT, D_FEAT), dtype=jnp.float32) * scale
    b_nn = jnp.zeros((D_FEAT,), dtype=jnp.float32)
    return {
        "x": x,
        "edge_index": edge_index,
        "W_conv": W_conv,
        "b_conv": b_conv,
        "ln_gamma": ln_gamma,
        "ln_beta": ln_beta,
        "W_nn": W_nn,
        "b_nn": b_nn,
    }


def _gcn_conv(x, edge_index, W, b):
    n = x.shape[0]
    loop = jnp.arange(n, dtype=edge_index.dtype)
    src = jnp.concatenate([edge_index[0], loop])
    dst = jnp.concatenate([edge_index[1], loop])
    deg = jnp.zeros((n,), dtype=x.dtype).at[dst].add(1.0)
    dinv = jax.lax.rsqrt(jnp.maximum(deg, 1.0))
    norm = dinv[src] * dinv[dst]
    h = x @ W
    msg = h[src] * norm[:, None]
    out = jnp.zeros_like(h).at[dst].add(msg)
    return out + b


def _layer_norm(h, gamma, beta, eps=1e-5):
    mu = jnp.mean(h, axis=-1, keepdims=True)
    var = jnp.var(h, axis=-1, keepdims=True)
    return (h - mu) * jax.lax.rsqrt(var + eps) * gamma + beta


def reference(x, edge_index, W_conv, b_conv, ln_gamma, ln_beta, W_nn, b_nn):
    # conv(x, edge_index)
    h = _gcn_conv(x, edge_index, W_conv, b_conv)
    # norm
    h = _layer_norm(h, ln_gamma, ln_beta)
    # dropout (eval mode -> identity)
    # residual + act
    h = jax.nn.relu(x + h)
    # nn (Linear)
    return h @ W_nn + b_nn

if __name__ == "__main__":
    import jax
    _d = setup_inputs()
    print(jax.jit(kernel)(*tuple(_d.values())))

</pallas_src>

<mosaic_0001>
#map = affine_map<(d0, d1) -> (0, 0)>
#map1 = affine_map<(d0, d1) -> (0)>
module attributes {stable_mosaic.version = 14 : i64} {
  func.func @_deg_body(%arg0: i32, %arg1: i32, %arg2: memref<1280x128xi32, #tpu.memory_space<hbm>>, %arg3: memref<10240xf32, #tpu.memory_space<hbm>>, %arg4: memref<10240xf32, #tpu.memory_space<hbm>>, %arg5: memref<40x128xi32, #tpu.memory_space<vmem>>, %arg6: memref<128xf32, #tpu.memory_space<vmem>>, %arg7: memref<640xf32, #tpu.memory_space<vmem>>, %arg8: memref<10240xf32, #tpu.memory_space<vmem_shared>>) attributes {dimension_semantics = [#tpu.dimension_semantics<core_parallel>, #tpu.dimension_semantics<subcore_parallel>], iteration_bounds = array<i64: 2, 16>, scalar_prefetch = 0 : i64, scratch_operands = 4 : i64, tpu.core_type = #tpu.core_type<sc_vector_subcore>, window_params = [{transform_indices = #map}, {transform_indices = #map1}, {transform_indices = #map1}]} {
    %eq3A = arith.constant 0 : i32
    %eq3A_0 = arith.cmpi eq, %arg0, %eq3A : i32
    %convert_element_type3A = arith.extui %eq3A_0 : i1 to i32
    %cond3A = arith.constant 0 : i32
    %cond3A_1 = arith.cmpi ne, %convert_element_type3A, %cond3A : i32
    scf.if %cond3A_1 {
      %broadcast_in_dim3A = arith.constant 1.000000e+00 : f32
      %broadcast_in_dim3A_7 = vector.broadcast %broadcast_in_dim3A : f32 to vector<16xf32>
      %scan3A = arith.constant 0 : i32
      %scan3A_8 = arith.constant 0 : i32
      %scan3A_9 = arith.constant 8 : i32
      %scan3A_10 = arith.addi %scan3A_8, %scan3A_9 : i32
      %scan3A_11 = arith.constant 1 : i32
      %scan3A_12 = scf.for %scan3A_40 = %scan3A_8 to %scan3A_10 step %scan3A_11 iter_args(%scan3A_41 = %scan3A) -> (i32)  : i32 {
        %mul3A_42 = arith.constant 16 : i32
        %mul3A_43 = arith.muli %scan3A_40, %mul3A_42 : i32
        %swap3A = arith.index_cast %mul3A_43 : i32 to index
        %swap3A_44 = tpu.vector_load %arg6[%swap3A] {strides = array<i32>} : memref<128xf32, #tpu.memory_space<vmem>>, vector<16xf32>,
        %swap3A_45 = vector.shape_cast %swap3A_44 : vector<16xf32> to vector<16xf32>
        %swap3A_46 = vector.shape_cast %broadcast_in_dim3A_7 : vector<16xf32> to vector<16xf32>
        tpu.vector_store %arg6[%swap3A], %swap3A_46 {strides = array<i32>} : memref<128xf32, #tpu.memory_space<vmem>>, vector<16xf32>,
        %scan3A_47 = arith.constant 0 : i32
        scf.yield %scan3A_47 : i32
      }
      %scan3A_13 = arith.constant 8 : i32
      %broadcast_in_dim3A_14 = arith.constant 0.000000e+00 : f32
      %broadcast_in_dim3A_15 = vector.broadcast %broadcast_in_dim3A_14 : f32 to vector<16xf32>
      %scan3A_16 = arith.constant 0 : i32
      %scan3A_17 = arith.constant 0 : i32
      %scan3A_18 = arith.constant 40 : i32
      %scan3A_19 = arith.addi %scan3A_17, %scan3A_18 : i32
      %scan3A_20 = arith.constant 1 : i32
      %scan3A_21 = scf.for %scan3A_40 = %scan3A_17 to %scan3A_19 step %scan3A_20 iter_args(%scan3A_41 = %scan3A_16) -> (i32)  : i32 {
        %mul3A_42 = arith.constant 16 : i32
        %mul3A_43 = arith.muli %scan3A_40, %mul3A_42 : i32
        %swap3A = arith.index_cast %mul3A_43 : i32 to index
        %swap3A_44 = tpu.vector_load %arg7[%swap3A] {strides = array<i32>} : memref<640xf32, #tpu.memory_space<vmem>>, vector<16xf32>,
        %swap3A_45 = vector.shape_cast %swap3A_44 : vector<16xf32> to vector<16xf32>
        %swap3A_46 = vector.shape_cast %broadcast_in_dim3A_15 : vector<16xf32> to vector<16xf32>
        tpu.vector_store %arg7[%swap3A], %swap3A_46 {strides = array<i32>} : memref<640xf32, #tpu.memory_space<vmem>>, vector<16xf32>,
        %scan3A_47 = arith.constant 0 : i32
        scf.yield %scan3A_47 : i32
      }
      %scan3A_22 = arith.constant 40 : i32
      %mul3A = arith.constant 640 : i32
      %mul3A_23 = arith.muli %arg1, %mul3A : i32
      "tpu.region"() ({
        %run_scoped3A = tpu.sem_alloc : memref<!tpu.dma_semaphore, #tpu.memory_space<semaphore_mem>>
        %dma_start3A = tpu.memref_slice %arg8[%mul3A_23] : memref<10240xf32, #tpu.memory_space<vmem_shared>> -> memref<640xf32, #tpu.memory_space<vmem_shared>>
        %dma_start3A_40 = tpu.memref_slice %arg8[%mul3A_23] : memref<10240xf32, #tpu.memory_space<vmem_shared>> -> memref<640xf32, #tpu.memory_space<vmem_shared>>
        tpu.enqueue_dma source(%arg7 : memref<640xf32, #tpu.memory_space<vmem>>) target(%dma_start3A_40 : memref<640xf32, #tpu.memory_space<vmem_shared>>) target_semaphore(%run_scoped3A : memref<!tpu.dma_semaphore, #tpu.memory_space<semaphore_mem>>)
        %dma_wait3A = tpu.memref_slice %arg8[%mul3A_23] : memref<10240xf32, #tpu.memory_space<vmem_shared>> -> memref<640xf32, #tpu.memory_space<vmem_shared>>
        %dma_wait3A_41 = tpu.memref_slice %arg8[%mul3A_23] : memref<10240xf32, #tpu.memory_space<vmem_shared>> -> memref<640xf32, #tpu.memory_space<vmem_shared>>
        tpu.wait_dma2 semaphore(%run_scoped3A : memref<!tpu.dma_semaphore, #tpu.memory_space<semaphore_mem>>) src(%arg7 : memref<640xf32, #tpu.memory_space<vmem>>) dst(%dma_wait3A_41 : memref<640xf32, #tpu.memory_space<vmem_shared>>)
        tpu.yield
      }) : () -> ()
      %mul3A_24 = arith.constant 640 : i32
      %mul3A_25 = arith.muli %arg0, %mul3A_24 : i32
      %mul3A_26 = arith.constant 40 : i32
      %mul3A_27 = arith.muli %arg1, %mul3A_26 : i32
      %add3A = arith.addi %mul3A_25, %mul3A_27 : i32
      "tpu.region"() ({
        %run_scoped3A = tpu.sem_alloc : memref<!tpu.dma_semaphore, #tpu.memory_space<semaphore_mem>>
        %dma_start3A = arith.constant 0 : i32
        %dma_start3A_40 = tpu.memref_slice %arg2[%add3A, %dma_start3A] : memref<1280x128xi32, #tpu.memory_space<hbm>> -> memref<40x128xi32, #tpu.memory_space<hbm>>
        %dma_start3A_41 = arith.constant 0 : i32
        %dma_start3A_42 = tpu.memref_slice %arg2[%add3A, %dma_start3A_41] : memref<1280x128xi32, #tpu.memory_space<hbm>> -> memref<40x128xi32, #tpu.memory_space<hbm>>
        tpu.enqueue_dma source(%dma_start3A_42 : memref<40x128xi32, #tpu.memory_space<hbm>>) target(%arg5 : memref<40x128xi32, #tpu.memory_space<vmem>>) target_semaphore(%run_scoped3A : memref<!tpu.dma_semaphore, #tpu.memory_space<semaphore_mem>>)
        %dma_wait3A = arith.constant 0 : i32
        %dma_wait3A_43 = tpu.memref_slice %arg2[%add3A, %dma_wait3A] : memref<1280x128xi32, #tpu.memory_space<hbm>> -> memref<40x128xi32, #tpu.memory_space<hbm>>
        %dma_wait3A_44 = arith.constant 0 : i32
        %dma_wait3A_45 = tpu.memref_slice %arg2[%add3A, %dma_wait3A_44] : memref<1280x128xi32, #tpu.memory_space<hbm>> -> memref<40x128xi32, #tpu.memory_space<hbm>>
        tpu.wait_dma2 semaphore(%run_scoped3A : memref<!tpu.dma_semaphore, #tpu.memory_space<semaphore_mem>>) src(%dma_wait3A_45 : memref<40x128xi32, #tpu.memory_space<hbm>>) dst(%arg5 : memref<40x128xi32, #tpu.memory_space<vmem>>)
        tpu.yield
      }) : () -> ()
      %barrier3A = arith.constant 0 : index
      tpu.barrier barrier_id(%barrier3A)
      %scan3A_28 = arith.constant 0 : i32
      %scan3A_29 = arith.constant 0 : i32
      %scan3A_30 = arith.constant 40 : i32
      %scan3A_31 = arith.addi %scan3A_29, %scan3A_30 : i32
      %scan3A_32 = arith.constant 1 : i32
      %scan3A_33 = scf.for %scan3A_40 = %scan3A_29 to %scan3A_31 step %scan3A_32 iter_args(%scan3A_41 = %scan3A_28) -> (i32)  : i32 {
        "tpu.region"() ({
          %run_scoped3A = tpu.sem_alloc : memref<!tpu.dma_semaphore, #tpu.memory_space<semaphore_mem>>
          %dma_start3A = arith.constant 0 : i32
          %dma_start3A_43 = tpu.memref_slice %arg5[%scan3A_40, %dma_start3A] : memref<40x128xi32, #tpu.memory_space<vmem>> -> memref<1x128xi32, #tpu.memory_space<vmem>>
          %dma_start3A_44 = tpu.memref_squeeze %dma_start3A_43 : memref<1x128xi32, #tpu.memory_space<vmem>> -> memref<128xi32, #tpu.memory_space<vmem>>
          %dma_start3A_45 = arith.constant 0 : i32
          %dma_start3A_46 = tpu.memref_slice %arg8[%dma_start3A_45] : memref<10240xf32, #tpu.memory_space<vmem_shared>> -> memref<10240xf32, #tpu.memory_space<vmem_shared>>
          tpu.enqueue_indirect_dma source(%arg6 : memref<128xf32, #tpu.memory_space<vmem>>) target(%dma_start3A_46 : memref<10240xf32, #tpu.memory_space<vmem_shared>>) offsets(%dma_start3A_44 : memref<128xi32, #tpu.memory_space<vmem>>) semaphore(%run_scoped3A : memref<!tpu.dma_semaphore, #tpu.memory_space<semaphore_mem>>) {add = true}
          %dma_wait3A = arith.constant 0 : i32
          %dma_wait3A_47 = tpu.memref_slice %arg5[%scan3A_40, %dma_wait3A] : memref<40x128xi32, #tpu.memory_space<vmem>> -> memref<1x128xi32, #tpu.memory_space<vmem>>
          %dma_wait3A_48 = tpu.memref_squeeze %dma_wait3A_47 : memref<1x128xi32, #tpu.memory_space<vmem>> -> memref<128xi32, #tpu.memory_space<vmem>>
          %dma_wait3A_49 = arith.constant 0 : i32
          %dma_wait3A_50 = tpu.memref_slice %arg8[%dma_wait3A_49] : memref<10240xf32, #tpu.memory_space<vmem_shared>> -> memref<10240xf32, #tpu.memory_space<vmem_shared>>
          tpu.wait_indirect_dma semaphore(%run_scoped3A : memref<!tpu.dma_semaphore, #tpu.memory_space<semaphore_mem>>) src(%arg6 : memref<128xf32, #tpu.memory_space<vmem>>) dst(%dma_wait3A_50 : memref<10240xf32, #tpu.memory_space<vmem_shared>>)
          tpu.yield
        }) : () -> ()
        %scan3A_42 = arith.constant 0 : i32
        scf.yield %scan3A_42 : i32
      }
      %scan3A_34 = arith.constant 40 : i32
      %barrier3A_35 = arith.constant 0 : index
      tpu.barrier barrier_id(%barrier3A_35)
      %mul3A_36 = arith.constant 640 : i32
      %mul3A_37 = arith.muli %arg1, %mul3A_36 : i32
      "tpu.region"() ({
        %run_scoped3A = tpu.sem_alloc : memref<!tpu.dma_semaphore, #tpu.memory_space<semaphore_mem>>
        %dma_start3A = tpu.memref_slice %arg8[%mul3A_37] : memref<10240xf32, #tpu.memory_space<vmem_shared>> -> memref<640xf32, #tpu.memory_space<vmem_shared>>
        %dma_start3A_40 = tpu.memref_slice %arg8[%mul3A_37] : memref<10240xf32, #tpu.memory_space<vmem_shared>> -> memref<640xf32, #tpu.memory_space<vmem_shared>>
        tpu.enqueue_dma source(%dma_start3A_40 : memref<640xf32, #tpu.memory_space<vmem_shared>>) target(%arg7 : memref<640xf32, #tpu.memory_space<vmem>>) target_semaphore(%run_scoped3A : memref<!tpu.dma_semaphore, #tpu.memory_space<semaphore_mem>>)
        %dma_wait3A = tpu.memref_slice %arg8[%mul3A_37] : memref<10240xf32, #tpu.memory_space<vmem_shared>> -> memref<640xf32, #tpu.memory_space<vmem_shared>>
        %dma_wait3A_41 = tpu.memref_slice %arg8[%mul3A_37] : memref<10240xf32, #tpu.memory_space<vmem_shared>> -> memref<640xf32, #tpu.memory_space<vmem_shared>>
        tpu.wait_dma2 semaphore(%run_scoped3A : memref<!tpu.dma_semaphore, #tpu.memory_space<semaphore_mem>>) src(%dma_wait3A_41 : memref<640xf32, #tpu.memory_space<vmem_shared>>) dst(%arg7 : memref<640xf32, #tpu.memory_space<vmem>>)
        tpu.yield
      }) : () -> ()
      %mul3A_38 = arith.constant 640 : i32
      %mul3A_39 = arith.muli %arg1, %mul3A_38 : i32
      "tpu.region"() ({
        %run_scoped3A = tpu.sem_alloc : memref<!tpu.dma_semaphore, #tpu.memory_space<semaphore_mem>>
        %dma_start3A = tpu.memref_slice %arg3[%mul3A_39] : memref<10240xf32, #tpu.memory_space<hbm>> -> memref<640xf32, #tpu.memory_space<hbm>>
        %dma_start3A_40 = tpu.memref_slice %arg3[%mul3A_39] : memref<10240xf32, #tpu.memory_space<hbm>> -> memref<640xf32, #tpu.memory_space<hbm>>
        tpu.enqueue_dma source(%arg7 : memref<640xf32, #tpu.memory_space<vmem>>) target(%dma_start3A_40 : memref<640xf32, #tpu.memory_space<hbm>>) target_semaphore(%run_scoped3A : memref<!tpu.dma_semaphore, #tpu.memory_space<semaphore_mem>>)
        %dma_wait3A = tpu.memref_slice %arg3[%mul3A_39] : memref<10240xf32, #tpu.memory_space<hbm>> -> memref<640xf32, #tpu.memory_space<hbm>>
        %dma_wait3A_41 = tpu.memref_slice %arg3[%mul3A_39] : memref<10240xf32, #tpu.memory_space<hbm>> -> memref<640xf32, #tpu.memory_space<hbm>>
        tpu.wait_dma2 semaphore(%run_scoped3A : memref<!tpu.dma_semaphore, #tpu.memory_space<semaphore_mem>>) src(%arg7 : memref<640xf32, #tpu.memory_space<vmem>>) dst(%dma_wait3A_41 : memref<640xf32, #tpu.memory_space<hbm>>)
        tpu.yield
      }) : () -> ()
    } else {
    }
    %eq3A_2 = arith.constant 1 : i32
    %eq3A_3 = arith.cmpi eq, %arg0, %eq3A_2 : i32
    %convert_element_type3A_4 = arith.extui %eq3A_3 : i1 to i32
    %cond3A_5 = arith.constant 0 : i32
    %cond3A_6 = arith.cmpi ne, %convert_element_type3A_4, %cond3A_5 : i32
    scf.if %cond3A_6 {
      %broadcast_in_dim3A = arith.constant 1.000000e+00 : f32
      %broadcast_in_dim3A_7 = vector.broadcast %broadcast_in_dim3A : f32 to vector<16xf32>
      %scan3A = arith.constant 0 : i32
      %scan3A_8 = arith.constant 0 : i32
      %scan3A_9 = arith.constant 8 : i32
      %scan3A_10 = arith.addi %scan3A_8, %scan3A_9 : i32
      %scan3A_11 = arith.constant 1 : i32
      %scan3A_12 = scf.for %scan3A_40 = %scan3A_8 to %scan3A_10 step %scan3A_11 iter_args(%scan3A_41 = %scan3A) -> (i32)  : i32 {
        %mul3A_42 = arith.constant 16 : i32
        %mul3A_43 = arith.muli %scan3A_40, %mul3A_42 : i32
        %swap3A = arith.index_cast %mul3A_43 : i32 to index
        %swap3A_44 = tpu.vector_load %arg6[%swap3A] {strides = array<i32>} : memref<128xf32, #tpu.memory_space<vmem>>, vector<16xf32>,
        %swap3A_45 = vector.shape_cast %swap3A_44 : vector<16xf32> to vector<16xf32>
        %swap3A_46 = vector.shape_cast %broadcast_in_dim3A_7 : vector<16xf32> to vector<16xf32>
        tpu.vector_store %arg6[%swap3A], %swap3A_46 {strides = array<i32>} : memref<128xf32, #tpu.memory_space<vmem>>, vector<16xf32>,
        %scan3A_47 = arith.constant 0 : i32
        scf.yield %scan3A_47 : i32
      }
      %scan3A_13 = arith.constant 8 : i32
      %broadcast_in_dim3A_14 = arith.constant 0.000000e+00 : f32
      %broadcast_in_dim3A_15 = vector.broadcast %broadcast_in_dim3A_14 : f32 to vector<16xf32>
      %scan3A_16 = arith.constant 0 : i32
      %scan3A_17 = arith.constant 0 : i32
      %scan3A_18 = arith.constant 40 : i32
      %scan3A_19 = arith.addi %scan3A_17, %scan3A_18 : i32
      %scan3A_20 = arith.constant 1 : i32
      %scan3A_21 = scf.for %scan3A_40 = %scan3A_17 to %scan3A_19 step %scan3A_20 iter_args(%scan3A_41 = %scan3A_16) -> (i32)  : i32 {
        %mul3A_42 = arith.constant 16 : i32
        %mul3A_43 = arith.muli %scan3A_40, %mul3A_42 : i32
        %swap3A = arith.index_cast %mul3A_43 : i32 to index
        %swap3A_44 = tpu.vector_load %arg7[%swap3A] {strides = array<i32>} : memref<640xf32, #tpu.memory_space<vmem>>, vector<16xf32>,
        %swap3A_45 = vector.shape_cast %swap3A_44 : vector<16xf32> to vector<16xf32>
        %swap3A_46 = vector.shape_cast %broadcast_in_dim3A_15 : vector<16xf32> to vector<16xf32>
        tpu.vector_store %arg7[%swap3A], %swap3A_46 {strides = array<i32>} : memref<640xf32, #tpu.memory_space<vmem>>, vector<16xf32>,
        %scan3A_47 = arith.constant 0 : i32
        scf.yield %scan3A_47 : i32
      }
      %scan3A_22 = arith.constant 40 : i32
      %mul3A = arith.constant 640 : i32
      %mul3A_23 = arith.muli %arg1, %mul3A : i32
      "tpu.region"() ({
        %run_scoped3A = tpu.sem_alloc : memref<!tpu.dma_semaphore, #tpu.memory_space<semaphore_mem>>
        %dma_start3A = tpu.memref_slice %arg8[%mul3A_23] : memref<10240xf32, #tpu.memory_space<vmem_shared>> -> memref<640xf32, #tpu.memory_space<vmem_shared>>
        %dma_start3A_40 = tpu.memref_slice %arg8[%mul3A_23] : memref<10240xf32, #tpu.memory_space<vmem_shared>> -> memref<640xf32, #tpu.memory_space<vmem_shared>>
        tpu.enqueue_dma source(%arg7 : memref<640xf32, #tpu.memory_space<vmem>>) target(%dma_start3A_40 : memref<640xf32, #tpu.memory_space<vmem_shared>>) target_semaphore(%run_scoped3A : memref<!tpu.dma_semaphore, #tpu.memory_space<semaphore_mem>>)
        %dma_wait3A = tpu.memref_slice %arg8[%mul3A_23] : memref<10240xf32, #tpu.memory_space<vmem_shared>> -> memref<640xf32, #tpu.memory_space<vmem_shared>>
        %dma_wait3A_41 = tpu.memref_slice %arg8[%mul3A_23] : memref<10240xf32, #tpu.memory_space<vmem_shared>> -> memref<640xf32, #tpu.memory_space<vmem_shared>>
        tpu.wait_dma2 semaphore(%run_scoped3A : memref<!tpu.dma_semaphore, #tpu.memory_space<semaphore_mem>>) src(%arg7 : memref<640xf32, #tpu.memory_space<vmem>>) dst(%dma_wait3A_41 : memref<640xf32, #tpu.memory_space<vmem_shared>>)
        tpu.yield
      }) : () -> ()
      %mul3A_24 = arith.constant 640 : i32
      %mul3A_25 = arith.muli %arg0, %mul3A_24 : i32
      %mul3A_26 = arith.constant 40 : i32
      %mul3A_27 = arith.muli %arg1, %mul3A_26 : i32
      %add3A = arith.addi %mul3A_25, %mul3A_27 : i32
      "tpu.region"() ({
        %run_scoped3A = tpu.sem_alloc : memref<!tpu.dma_semaphore, #tpu.memory_space<semaphore_mem>>
        %dma_start3A = arith.constant 0 : i32
        %dma_start3A_40 = tpu.memref_slice %arg2[%add3A, %dma_start3A] : memref<1280x128xi32, #tpu.memory_space<hbm>> -> memref<40x128xi32, #tpu.memory_space<hbm>>
        %dma_start3A_41 = arith.constant 0 : i32
        %dma_start3A_42 = tpu.memref_slice %arg2[%add3A, %dma_start3A_41] : memref<1280x128xi32, #tpu.memory_space<hbm>> -> memref<40x128xi32, #tpu.memory_space<hbm>>
        tpu.enqueue_dma source(%dma_start3A_42 : memref<40x128xi32, #tpu.memory_space<hbm>>) target(%arg5 : memref<40x128xi32, #tpu.memory_space<vmem>>) target_semaphore(%run_scoped3A : memref<!tpu.dma_semaphore, #tpu.memory_space<semaphore_mem>>)
        %dma_wait3A = arith.constant 0 : i32
        %dma_wait3A_43 = tpu.memref_slice %arg2[%add3A, %dma_wait3A] : memref<1280x128xi32, #tpu.memory_space<hbm>> -> memref<40x128xi32, #tpu.memory_space<hbm>>
        %dma_wait3A_44 = arith.constant 0 : i32
        %dma_wait3A_45 = tpu.memref_slice %arg2[%add3A, %dma_wait3A_44] : memref<1280x128xi32, #tpu.memory_space<hbm>> -> memref<40x128xi32, #tpu.memory_space<hbm>>
        tpu.wait_dma2 semaphore(%run_scoped3A : memref<!tpu.dma_semaphore, #tpu.memory_space<semaphore_mem>>) src(%dma_wait3A_45 : memref<40x128xi32, #tpu.memory_space<hbm>>) dst(%arg5 : memref<40x128xi32, #tpu.memory_space<vmem>>)
        tpu.yield
      }) : () -> ()
      %barrier3A = arith.constant 0 : index
      tpu.barrier barrier_id(%barrier3A)
      %scan3A_28 = arith.constant 0 : i32
      %scan3A_29 = arith.constant 0 : i32
      %scan3A_30 = arith.constant 40 : i32
      %scan3A_31 = arith.addi %scan3A_29, %scan3A_30 : i32
      %scan3A_32 = arith.constant 1 : i32
      %scan3A_33 = scf.for %scan3A_40 = %scan3A_29 to %scan3A_31 step %scan3A_32 iter_args(%scan3A_41 = %scan3A_28) -> (i32)  : i32 {
        "tpu.region"() ({
          %run_scoped3A = tpu.sem_alloc : memref<!tpu.dma_semaphore, #tpu.memory_space<semaphore_mem>>
          %dma_start3A = arith.constant 0 : i32
          %dma_start3A_43 = tpu.memref_slice %arg5[%scan3A_40, %dma_start3A] : memref<40x128xi32, #tpu.memory_space<vmem>> -> memref<1x128xi32, #tpu.memory_space<vmem>>
          %dma_start3A_44 = tpu.memref_squeeze %dma_start3A_43 : memref<1x128xi32, #tpu.memory_space<vmem>> -> memref<128xi32, #tpu.memory_space<vmem>>
          %dma_start3A_45 = arith.constant 0 : i32
          %dma_start3A_46 = tpu.memref_slice %arg8[%dma_start3A_45] : memref<10240xf32, #tpu.memory_space<vmem_shared>> -> memref<10240xf32, #tpu.memory_space<vmem_shared>>
          tpu.enqueue_indirect_dma source(%arg6 : memref<128xf32, #tpu.memory_space<vmem>>) target(%dma_start3A_46 : memref<10240xf32, #tpu.memory_space<vmem_shared>>) offsets(%dma_start3A_44 : memref<128xi32, #tpu.memory_space<vmem>>) semaphore(%run_scoped3A : memref<!tpu.dma_semaphore, #tpu.memory_space<semaphore_mem>>) {add = true}
          %dma_wait3A = arith.constant 0 : i32
          %dma_wait3A_47 = tpu.memref_slice %arg5[%scan3A_40, %dma_wait3A] : memref<40x128xi32, #tpu.memory_space<vmem>> -> memref<1x128xi32, #tpu.memory_space<vmem>>
          %dma_wait3A_48 = tpu.memref_squeeze %dma_wait3A_47 : memref<1x128xi32, #tpu.memory_space<vmem>> -> memref<128xi32, #tpu.memory_space<vmem>>
          %dma_wait3A_49 = arith.constant 0 : i32
          %dma_wait3A_50 = tpu.memref_slice %arg8[%dma_wait3A_49] : memref<10240xf32, #tpu.memory_space<vmem_shared>> -> memref<10240xf32, #tpu.memory_space<vmem_shared>>
          tpu.wait_indirect_dma semaphore(%run_scoped3A : memref<!tpu.dma_semaphore, #tpu.memory_space<semaphore_mem>>) src(%arg6 : memref<128xf32, #tpu.memory_space<vmem>>) dst(%dma_wait3A_50 : memref<10240xf32, #tpu.memory_space<vmem_shared>>)
          tpu.yield
        }) : () -> ()
        %scan3A_42 = arith.constant 0 : i32
        scf.yield %scan3A_42 : i32
      }
      %scan3A_34 = arith.constant 40 : i32
      %barrier3A_35 = arith.constant 0 : index
      tpu.barrier barrier_id(%barrier3A_35)
      %mul3A_36 = arith.constant 640 : i32
      %mul3A_37 = arith.muli %arg1, %mul3A_36 : i32
      "tpu.region"() ({
        %run_scoped3A = tpu.sem_alloc : memref<!tpu.dma_semaphore, #tpu.memory_space<semaphore_mem>>
        %dma_start3A = tpu.memref_slice %arg8[%mul3A_37] : memref<10240xf32, #tpu.memory_space<vmem_shared>> -> memref<640xf32, #tpu.memory_space<vmem_shared>>
        %dma_start3A_40 = tpu.memref_slice %arg8[%mul3A_37] : memref<10240xf32, #tpu.memory_space<vmem_shared>> -> memref<640xf32, #tpu.memory_space<vmem_shared>>
        tpu.enqueue_dma source(%dma_start3A_40 : memref<640xf32, #tpu.memory_space<vmem_shared>>) target(%arg7 : memref<640xf32, #tpu.memory_space<vmem>>) target_semaphore(%run_scoped3A : memref<!tpu.dma_semaphore, #tpu.memory_space<semaphore_mem>>)
        %dma_wait3A = tpu.memref_slice %arg8[%mul3A_37] : memref<10240xf32, #tpu.memory_space<vmem_shared>> -> memref<640xf32, #tpu.memory_space<vmem_shared>>
        %dma_wait3A_41 = tpu.memref_slice %arg8[%mul3A_37] : memref<10240xf32, #tpu.memory_space<vmem_shared>> -> memref<640xf32, #tpu.memory_space<vmem_shared>>
        tpu.wait_dma2 semaphore(%run_scoped3A : memref<!tpu.dma_semaphore, #tpu.memory_space<semaphore_mem>>) src(%dma_wait3A_41 : memref<640xf32, #tpu.memory_space<vmem_shared>>) dst(%arg7 : memref<640xf32, #tpu.memory_space<vmem>>)
        tpu.yield
      }) : () -> ()
      %mul3A_38 = arith.constant 640 : i32
      %mul3A_39 = arith.muli %arg1, %mul3A_38 : i32
      "tpu.region"() ({
        %run_scoped3A = tpu.sem_alloc : memref<!tpu.dma_semaphore, #tpu.memory_space<semaphore_mem>>
        %dma_start3A = tpu.memref_slice %arg4[%mul3A_39] : memref<10240xf32, #tpu.memory_space<hbm>> -> memref<640xf32, #tpu.memory_space<hbm>>
        %dma_start3A_40 = tpu.memref_slice %arg4[%mul3A_39] : memref<10240xf32, #tpu.memory_space<hbm>> -> memref<640xf32, #tpu.memory_space<hbm>>
        tpu.enqueue_dma source(%arg7 : memref<640xf32, #tpu.memory_space<vmem>>) target(%dma_start3A_40 : memref<640xf32, #tpu.memory_space<hbm>>) target_semaphore(%run_scoped3A : memref<!tpu.dma_semaphore, #tpu.memory_space<semaphore_mem>>)
        %dma_wait3A = tpu.memref_slice %arg4[%mul3A_39] : memref<10240xf32, #tpu.memory_space<hbm>> -> memref<640xf32, #tpu.memory_space<hbm>>
        %dma_wait3A_41 = tpu.memref_slice %arg4[%mul3A_39] : memref<10240xf32, #tpu.memory_space<hbm>> -> memref<640xf32, #tpu.memory_space<hbm>>
        tpu.wait_dma2 semaphore(%run_scoped3A : memref<!tpu.dma_semaphore, #tpu.memory_space<semaphore_mem>>) src(%arg7 : memref<640xf32, #tpu.memory_space<vmem>>) dst(%dma_wait3A_41 : memref<640xf32, #tpu.memory_space<hbm>>)
        tpu.yield
      }) : () -> ()
    } else {
    }
    return
  }
}

#map = affine_map<(d0, d1) -> (0, 0)>
module attributes {stable_mosaic.version = 14 : i64} {
  func.func @_agg_body(%arg0: i32, %arg1: i32, %arg2: memref<1280x128xi32, #tpu.memory_space<hbm>>, %arg3: memref<1280x128xi32, #tpu.memory_space<hbm>>, %arg4: memref<10240x128xf32, #tpu.memory_space<hbm>>, %arg5: memref<10240x128xf32, #tpu.memory_space<hbm>>, %arg6: memref<10240x128xf32, #tpu.memory_space<hbm>>, %arg7: memref<10240x128xf32, #tpu.memory_space<hbm>>, %arg8: memref<40x128xi32, #tpu.memory_space<vmem>>, %arg9: memref<40x128xi32, #tpu.memory_space<vmem>>, %arg10: memref<128x128xf32, #tpu.memory_space<vmem>>, %arg11: memref<128x128xf32, #tpu.memory_space<vmem>>, %arg12: memref<10240x128xf32, #tpu.memory_space<vmem_shared>>, %arg13: memref<!tpu.dma_semaphore, #tpu.memory_space<semaphore_mem>>, %arg14: memref<!tpu.dma_semaphore, #tpu.memory_space<semaphore_mem>>) attributes {dimension_semantics = [#tpu.dimension_semantics<core_parallel>, #tpu.dimension_semantics<subcore_parallel>], iteration_bounds = array<i64: 2, 16>, scalar_prefetch = 0 : i64, scratch_operands = 7 : i64, tpu.core_type = #tpu.core_type<sc_vector_subcore>, window_params = [{transform_indices = #map}, {transform_indices = #map}, {transform_indices = #map}, {transform_indices = #map}, {transform_indices = #map}, {transform_indices = #map}]} {
    %eq3A = arith.constant 0 : i32
    %eq3A_0 = arith.cmpi eq, %arg0, %eq3A : i32
    %convert_element_type3A = arith.extui %eq3A_0 : i1 to i32
    %cond3A = arith.constant 0 : i32
    %cond3A_1 = arith.cmpi ne, %convert_element_type3A, %cond3A : i32
    scf.if %cond3A_1 {
      %mul3A = arith.constant 640 : i32
      %mul3A_7 = arith.muli %arg1, %mul3A : i32
      "tpu.region"() ({
        %run_scoped3A = tpu.sem_alloc : memref<!tpu.dma_semaphore, #tpu.memory_space<semaphore_mem>>
        %dma_start3A = arith.constant 0 : i32
        %dma_start3A_15 = tpu.memref_slice %arg12[%mul3A_7, %dma_start3A] : memref<10240x128xf32, #tpu.memory_space<vmem_shared>> -> memref<640x128xf32, #tpu.memory_space<vmem_shared>>
        %dma_start3A_16 = arith.constant 0 : i32
        %dma_start3A_17 = tpu.memref_slice %arg4[%mul3A_7, %dma_start3A_16] : memref<10240x128xf32, #tpu.memory_space<hbm>> -> memref<640x128xf32, #tpu.memory_space<hbm>>
        tpu.enqueue_dma source(%dma_start3A_17 : memref<640x128xf32, #tpu.memory_space<hbm>>) target(%dma_start3A_15 : memref<640x128xf32, #tpu.memory_space<vmem_shared>>) target_semaphore(%run_scoped3A : memref<!tpu.dma_semaphore, #tpu.memory_space<semaphore_mem>>)
        %dma_wait3A = arith.constant 0 : i32
        %dma_wait3A_18 = tpu.memref_slice %arg12[%mul3A_7, %dma_wait3A] : memref<10240x128xf32, #tpu.memory_space<vmem_shared>> -> memref<640x128xf32, #tpu.memory_space<vmem_shared>>
        %dma_wait3A_19 = arith.constant 0 : i32
        %dma_wait3A_20 = tpu.memref_slice %arg4[%mul3A_7, %dma_wait3A_19] : memref<10240x128xf32, #tpu.memory_space<hbm>> -> memref<640x128xf32, #tpu.memory_space<hbm>>
        tpu.wait_dma2 semaphore(%run_scoped3A : memref<!tpu.dma_semaphore, #tpu.memory_space<semaphore_mem>>) src(%dma_wait3A_20 : memref<640x128xf32, #tpu.memory_space<hbm>>) dst(%dma_wait3A_18 : memref<640x128xf32, #tpu.memory_space<vmem_shared>>)
        tpu.yield
      }) : () -> ()
      %barrier3A = arith.constant 0 : index
      tpu.barrier barrier_id(%barrier3A)
      %scan3A = arith.constant 0 : i32
      %scan3A_8 = arith.constant 0 : i32
      %scan3A_9 = arith.constant 2 : i32
      %scan3A_10 = arith.addi %scan3A_8, %scan3A_9 : i32
      %scan3A_11 = arith.constant 1 : i32
      %scan3A_12 = scf.for %scan3A_15 = %scan3A_8 to %scan3A_10 step %scan3A_11 iter_args(%scan3A_16 = %scan3A) -> (i32)  : i32 {
        %mul3A_17 = arith.constant 80 : i32
        %mul3A_18 = arith.muli %arg1, %mul3A_17 : i32
        %mul3A_19 = arith.constant 40 : i32
        %mul3A_20 = arith.muli %scan3A_15, %mul3A_19 : i32
        %add3A = arith.addi %mul3A_18, %mul3A_20 : i32
        "tpu.region"() ({
          %run_scoped3A = tpu.sem_alloc : memref<!tpu.dma_semaphore, #tpu.memory_space<semaphore_mem>>
          %dma_start3A_42 = arith.constant 0 : i32
          %dma_start3A_43 = tpu.memref_slice %arg2[%add3A, %dma_start3A_42] : memref<1280x128xi32, #tpu.memory_space<hbm>> -> memref<40x128xi32, #tpu.memory_space<hbm>>
          %dma_start3A_44 = arith.constant 0 : i32
          %dma_start3A_45 = tpu.memref_slice %arg2[%add3A, %dma_start3A_44] : memref<1280x128xi32, #tpu.memory_space<hbm>> -> memref<40x128xi32, #tpu.memory_space<hbm>>
          tpu.enqueue_dma source(%dma_start3A_45 : memref<40x128xi32, #tpu.memory_space<hbm>>) target(%arg8 : memref<40x128xi32, #tpu.memory_space<vmem>>) target_semaphore(%run_scoped3A : memref<!tpu.dma_semaphore, #tpu.memory_space<semaphore_mem>>)
          %dma_wait3A = arith.constant 0 : i32
          %dma_wait3A_46 = tpu.memref_slice %arg2[%add3A, %dma_wait3A] : memref<1280x128xi32, #tpu.memory_space<hbm>> -> memref<40x128xi32, #tpu.memory_space<hbm>>
          %dma_wait3A_47 = arith.constant 0 : i32
          %dma_wait3A_48 = tpu.memref_slice %arg2[%add3A, %dma_wait3A_47] : memref<1280x128xi32, #tpu.memory_space<hbm>> -> memref<40x128xi32, #tpu.memory_space<hbm>>
          tpu.wait_dma2 semaphore(%run_scoped3A : memref<!tpu.dma_semaphore, #tpu.memory_space<semaphore_mem>>) src(%dma_wait3A_48 : memref<40x128xi32, #tpu.memory_space<hbm>>) dst(%arg8 : memref<40x128xi32, #tpu.memory_space<vmem>>)
          tpu.yield
        }) : () -> ()
        "tpu.region"() ({
          %run_scoped3A = tpu.sem_alloc : memref<!tpu.dma_semaphore, #tpu.memory_space<semaphore_mem>>
          %dma_start3A_42 = arith.constant 0 : i32
          %dma_start3A_43 = tpu.memref_slice %arg3[%add3A, %dma_start3A_42] : memref<1280x128xi32, #tpu.memory_space<hbm>> -> memref<40x128xi32, #tpu.memory_space<hbm>>
          %dma_start3A_44 = arith.constant 0 : i32
          %dma_start3A_45 = tpu.memref_slice %arg3[%add3A, %dma_start3A_44] : memref<1280x128xi32, #tpu.memory_space<hbm>> -> memref<40x128xi32, #tpu.memory_space<hbm>>
          tpu.enqueue_dma source(%dma_start3A_45 : memref<40x128xi32, #tpu.memory_space<hbm>>) target(%arg9 : memref<40x128xi32, #tpu.memory_space<vmem>>) target_semaphore(%run_scoped3A : memref<!tpu.dma_semaphore, #tpu.memory_space<semaphore_mem>>)
          %dma_wait3A = arith.constant 0 : i32
          %dma_wait3A_46 = tpu.memref_slice %arg3[%add3A, %dma_wait3A] : memref<1280x128xi32, #tpu.memory_space<hbm>> -> memref<40x128xi32, #tpu.memory_space<hbm>>
          %dma_wait3A_47 = arith.constant 0 : i32
          %dma_wait3A_48 = tpu.memref_slice %arg3[%add3A, %dma_wait3A_47] : memref<1280x128xi32, #tpu.memory_space<hbm>> -> memref<40x128xi32, #tpu.memory_space<hbm>>
          tpu.wait_dma2 semaphore(%run_scoped3A : memref<!tpu.dma_semaphore, #tpu.memory_space<semaphore_mem>>) src(%dma_wait3A_48 : memref<40x128xi32, #tpu.memory_space<hbm>>) dst(%arg9 : memref<40x128xi32, #tpu.memory_space<vmem>>)
          tpu.yield
        }) : () -> ()
        %dma_start3A = arith.constant 0 : i32
        %dma_start3A_21 = arith.constant 0 : i32
        %dma_start3A_22 = tpu.memref_slice %arg8[%dma_start3A, %dma_start3A_21] : memref<40x128xi32, #tpu.memory_space<vmem>> -> memref<1x128xi32, #tpu.memory_space<vmem>>
        %dma_start3A_23 = tpu.memref_squeeze %dma_start3A_22 : memref<1x128xi32, #tpu.memory_space<vmem>> -> memref<128xi32, #tpu.memory_space<vmem>>
        %dma_start3A_24 = arith.constant 0 : i32
        %dma_start3A_25 = arith.constant 0 : i32
        %dma_start3A_26 = tpu.memref_slice %arg4[%dma_start3A_24, %dma_start3A_25] : memref<10240x128xf32, #tpu.memory_space<hbm>> -> memref<10240x128xf32, #tpu.memory_space<hbm>>
        tpu.enqueue_indirect_dma source(%dma_start3A_26 : memref<10240x128xf32, #tpu.memory_space<hbm>>) target(%arg10 : memref<128x128xf32, #tpu.memory_space<vmem>>) offsets(%dma_start3A_23 : memref<128xi32, #tpu.memory_space<vmem>>) semaphore(%arg13 : memref<!tpu.dma_semaphore, #tpu.memory_space<semaphore_mem>>)
        %dma_start3A_27 = arith.constant 1 : i32
        %dma_start3A_28 = arith.constant 0 : i32
        %dma_start3A_29 = tpu.memref_slice %arg8[%dma_start3A_27, %dma_start3A_28] : memref<40x128xi32, #tpu.memory_space<vmem>> -> memref<1x128xi32, #tpu.memory_space<vmem>>
        %dma_start3A_30 = tpu.memref_squeeze %dma_start3A_29 : memref<1x128xi32, #tpu.memory_space<vmem>> -> memref<128xi32, #tpu.memory_space<vmem>>
        %dma_start3A_31 = arith.constant 0 : i32
        %dma_start3A_32 = arith.constant 0 : i32
        %dma_start3A_33 = tpu.memref_slice %arg4[%dma_start3A_31, %dma_start3A_32] : memref<10240x128xf32, #tpu.memory_space<hbm>> -> memref<10240x128xf32, #tpu.memory_space<hbm>>
        tpu.enqueue_indirect_dma source(%dma_start3A_33 : memref<10240x128xf32, #tpu.memory_space<hbm>>) target(%arg11 : memref<128x128xf32, #tpu.memory_space<vmem>>) offsets(%dma_start3A_30 : memref<128xi32, #tpu.memory_space<vmem>>) semaphore(%arg14 : memref<!tpu.dma_semaphore, #tpu.memory_space<semaphore_mem>>)
        %scan3A_34 = arith.constant 0 : i32
        %scan3A_35 = arith.constant 0 : i32
        %scan3A_36 = arith.constant 20 : i32
        %scan3A_37 = arith.addi %scan3A_35, %scan3A_36 : i32
        %scan3A_38 = arith.constant 1 : i32
        %scan3A_39 = scf.for %scan3A_42 = %scan3A_35 to %scan3A_37 step %scan3A_38 iter_args(%scan3A_43 = %scan3A_34) -> (i32)  : i32 {
          %mul3A_44 = arith.constant 2 : i32
          %mul3A_45 = arith.muli %mul3A_44, %scan3A_42 : i32
          %add3A_46 = arith.constant 1 : i32
          %add3A_47 = arith.addi %mul3A_45, %add3A_46 : i32
          %dma_wait3A = arith.constant 0 : i32
          %dma_wait3A_48 = tpu.memref_slice %arg8[%mul3A_45, %dma_wait3A] : memref<40x128xi32, #tpu.memory_space<vmem>> -> memref<1x128xi32, #tpu.memory_space<vmem>>
          %dma_wait3A_49 = tpu.memref_squeeze %dma_wait3A_48 : memref<1x128xi32, #tpu.memory_space<vmem>> -> memref<128xi32, #tpu.memory_space<vmem>>
          %dma_wait3A_50 = arith.constant 0 : i32
          %dma_wait3A_51 = arith.constant 0 : i32
          %dma_wait3A_52 = tpu.memref_slice %arg4[%dma_wait3A_50, %dma_wait3A_51] : memref<10240x128xf32, #tpu.memory_space<hbm>> -> memref<10240x128xf32, #tpu.memory_space<hbm>>
          tpu.wait_indirect_dma semaphore(%arg13 : memref<!tpu.dma_semaphore, #tpu.memory_space<semaphore_mem>>) src(%dma_wait3A_52 : memref<10240x128xf32, #tpu.memory_space<hbm>>) dst(%arg10 : memref<128x128xf32, #tpu.memory_space<vmem>>)
          "tpu.region"() ({
            %run_scoped3A = tpu.sem_alloc : memref<!tpu.dma_semaphore, #tpu.memory_space<semaphore_mem>>
            %dma_start3A_73 = arith.constant 0 : i32
            %dma_start3A_74 = tpu.memref_slice %arg9[%mul3A_45, %dma_start3A_73] : memref<40x128xi32, #tpu.memory_space<vmem>> -> memref<1x128xi32, #tpu.memory_space<vmem>>
            %dma_start3A_75 = tpu.memref_squeeze %dma_start3A_74 : memref<1x128xi32, #tpu.memory_space<vmem>> -> memref<128xi32, #tpu.memory_space<vmem>>
            %dma_start3A_76 = arith.constant 0 : i32
            %dma_start3A_77 = arith.constant 0 : i32
            %dma_start3A_78 = tpu.memref_slice %arg12[%dma_start3A_76, %dma_start3A_77] : memref<10240x128xf32, #tpu.memory_space<vmem_shared>> -> memref<10240x128xf32, #tpu.memory_space<vmem_shared>>
            tpu.enqueue_indirect_dma source(%arg10 : memref<128x128xf32, #tpu.memory_space<vmem>>) target(%dma_start3A_78 : memref<10240x128xf32, #tpu.memory_space<vmem_shared>>) offsets(%dma_start3A_75 : memref<128xi32, #tpu.memory_space<vmem>>) semaphore(%run_scoped3A : memref<!tpu.dma_semaphore, #tpu.memory_space<semaphore_mem>>) {add = true}
            %dma_wait3A_79 = arith.constant 0 : i32
            %dma_wait3A_80 = tpu.memref_slice %arg9[%mul3A_45, %dma_wait3A_79] : memref<40x128xi32, #tpu.memory_space<vmem>> -> memref<1x128xi32, #tpu.memory_space<vmem>>
            %dma_wait3A_81 = tpu.memref_squeeze %dma_wait3A_80 : memref<1x128xi32, #tpu.memory_space<vmem>> -> memref<128xi32, #tpu.memory_space<vmem>>
            %dma_wait3A_82 = arith.constant 0 : i32
            %dma_wait3A_83 = arith.constant 0 : i32
            %dma_wait3A_84 = tpu.memref_slice %arg12[%dma_wait3A_82, %dma_wait3A_83] : memref<10240x128xf32, #tpu.memory_space<vmem_shared>> -> memref<10240x128xf32, #tpu.memory_space<vmem_shared>>
            tpu.wait_indirect_dma semaphore(%run_scoped3A : memref<!tpu.dma_semaphore, #tpu.memory_space<semaphore_mem>>) src(%arg10 : memref<128x128xf32, #tpu.memory_space<vmem>>) dst(%dma_wait3A_84 : memref<10240x128xf32, #tpu.memory_space<vmem_shared>>)
            tpu.yield
          }) : () -> ()
          %add3A_53 = arith.constant 2 : i32
          %add3A_54 = arith.addi %mul3A_45, %add3A_53 : i32
          %lt3A = arith.constant 40 : i32
          %lt3A_55 = arith.cmpi slt, %add3A_54, %lt3A : i32
          %convert_element_type3A_56 = arith.extui %lt3A_55 : i1 to i32
          %cond3A_57 = arith.constant 0 : i32
          %cond3A_58 = arith.cmpi ne, %convert_element_type3A_56, %cond3A_57 : i32
          scf.if %cond3A_58 {
            %add3A_73 = arith.constant 2 : i32
            %add3A_74 = arith.addi %mul3A_45, %add3A_73 : i32
            %dma_start3A_75 = arith.constant 0 : i32
            %dma_start3A_76 = tpu.memref_slice %arg8[%add3A_74, %dma_start3A_75] : memref<40x128xi32, #tpu.memory_space<vmem>> -> memref<1x128xi32, #tpu.memory_space<vmem>>
            %dma_start3A_77 = tpu.memref_squeeze %dma_start3A_76 : memref<1x128xi32, #tpu.memory_space<vmem>> -> memref<128xi32, #tpu.memory_space<vmem>>
            %dma_start3A_78 = arith.constant 0 : i32
            %dma_start3A_79 = arith.constant 0 : i32
            %dma_start3A_80 = tpu.memref_slice %arg4[%dma_start3A_78, %dma_start3A_79] : memref<10240x128xf32, #tpu.memory_space<hbm>> -> memref<10240x128xf32, #tpu.memory_space<hbm>>
            tpu.enqueue_indirect_dma source(%dma_start3A_80 : memref<10240x128xf32, #tpu.memory_space<hbm>>) target(%arg10 : memref<128x128xf32, #tpu.memory_space<vmem>>) offsets(%dma_start3A_77 : memref<128xi32, #tpu.memory_space<vmem>>) semaphore(%arg13 : memref<!tpu.dma_semaphore, #tpu.memory_space<semaphore_mem>>)
          } else {
          }
          %dma_wait3A_59 = arith.constant 0 : i32
          %dma_wait3A_60 = tpu.memref_slice %arg8[%add3A_47, %dma_wait3A_59] : memref<40x128xi32, #tpu.memory_space<vmem>> -> memref<1x128xi32, #tpu.memory_space<vmem>>
          %dma_wait3A_61 = tpu.memref_squeeze %dma_wait3A_60 : memref<1x128xi32, #tpu.memory_space<vmem>> -> memref<128xi32, #tpu.memory_space<vmem>>
          %dma_wait3A_62 = arith.constant 0 : i32
          %dma_wait3A_63 = arith.constant 0 : i32
          %dma_wait3A_64 = tpu.memref_slice %arg4[%dma_wait3A_62, %dma_wait3A_63] : memref<10240x128xf32, #tpu.memory_space<hbm>> -> memref<10240x128xf32, #tpu.memory_space<hbm>>
          tpu.wait_indirect_dma semaphore(%arg14 : memref<!tpu.dma_semaphore, #tpu.memory_space<semaphore_mem>>) src(%dma_wait3A_64 : memref<10240x128xf32, #tpu.memory_space<hbm>>) dst(%arg11 : memref<128x128xf32, #tpu.memory_space<vmem>>)
          "tpu.region"() ({
            %run_scoped3A = tpu.sem_alloc : memref<!tpu.dma_semaphore, #tpu.memory_space<semaphore_mem>>
            %dma_start3A_73 = arith.constant 0 : i32
            %dma_start3A_74 = tpu.memref_slice %arg9[%add3A_47, %dma_start3A_73] : memref<40x128xi32, #tpu.memory_space<vmem>> -> memref<1x128xi32, #tpu.memory_space<vmem>>
            %dma_start3A_75 = tpu.memref_squeeze %dma_start3A_74 : memref<1x128xi32, #tpu.memory_space<vmem>> -> memref<128xi32, #tpu.memory_space<vmem>>
            %dma_start3A_76 = arith.constant 0 : i32
            %dma_start3A_77 = arith.constant 0 : i32
            %dma_start3A_78 = tpu.memref_slice %arg12[%dma_start3A_76, %dma_start3A_77] : memref<10240x128xf32, #tpu.memory_space<vmem_shared>> -> memref<10240x128xf32, #tpu.memory_space<vmem_shared>>
            tpu.enqueue_indirect_dma source(%arg11 : memref<128x128xf32, #tpu.memory_space<vmem>>) target(%dma_start3A_78 : memref<10240x128xf32, #tpu.memory_space<vmem_shared>>) offsets(%dma_start3A_75 : memref<128xi32, #tpu.memory_space<vmem>>) semaphore(%run_scoped3A : memref<!tpu.dma_semaphore, #tpu.memory_space<semaphore_mem>>) {add = true}
            %dma_wait3A_79 = arith.constant 0 : i32
            %dma_wait3A_80 = tpu.memref_slice %arg9[%add3A_47, %dma_wait3A_79] : memref<40x128xi32, #tpu.memory_space<vmem>> -> memref<1x128xi32, #tpu.memory_space<vmem>>
            %dma_wait3A_81 = tpu.memref_squeeze %dma_wait3A_80 : memref<1x128xi32, #tpu.memory_space<vmem>> -> memref<128xi32, #tpu.memory_space<vmem>>
            %dma_wait3A_82 = arith.constant 0 : i32
            %dma_wait3A_83 = arith.constant 0 : i32
            %dma_wait3A_84 = tpu.memref_slice %arg12[%dma_wait3A_82, %dma_wait3A_83] : memref<10240x128xf32, #tpu.memory_space<vmem_shared>> -> memref<10240x128xf32, #tpu.memory_space<vmem_shared>>
            tpu.wait_indirect_dma semaphore(%run_scoped3A : memref<!tpu.dma_semaphore, #tpu.memory_space<semaphore_mem>>) src(%arg11 : memref<128x128xf32, #tpu.memory_space<vmem>>) dst(%dma_wait3A_84 : memref<10240x128xf32, #tpu.memory_space<vmem_shared>>)
            tpu.yield
          }) : () -> ()
          %add3A_65 = arith.constant 2 : i32
          %add3A_66 = arith.addi %add3A_47, %add3A_65 : i32
          %lt3A_67 = arith.constant 40 : i32
          %lt3A_68 = arith.cmpi slt, %add3A_66, %lt3A_67 : i32
          %convert_element_type3A_69 = arith.extui %lt3A_68 : i1 to i32
          %cond3A_70 = arith.constant 0 : i32
          %cond3A_71 = arith.cmpi ne, %convert_element_type3A_69, %cond3A_70 : i32
          scf.if %cond3A_71 {
            %add3A_73 = arith.constant 2 : i32
            %add3A_74 = arith.addi %add3A_47, %add3A_73 : i32
            %dma_start3A_75 = arith.constant 0 : i32
            %dma_start3A_76 = tpu.memref_slice %arg8[%add3A_74, %dma_start3A_75] : memref<40x128xi32, #tpu.memory_space<vmem>> -> memref<1x128xi32, #tpu.memory_space<vmem>>
            %dma_start3A_77 = tpu.memref_squeeze %dma_start3A_76 : memref<1x128xi32, #tpu.memory_space<vmem>> -> memref<128xi32, #tpu.memory_space<vmem>>
            %dma_start3A_78 = arith.constant 0 : i32
            %dma_start3A_79 = arith.constant 0 : i32
            %dma_start3A_80 = tpu.memref_slice %arg4[%dma_start3A_78, %dma_start3A_79] : memref<10240x128xf32, #tpu.memory_space<hbm>> -> memref<10240x128xf32, #tpu.memory_space<hbm>>
            tpu.enqueue_indirect_dma source(%dma_start3A_80 : memref<10240x128xf32, #tpu.memory_space<hbm>>) target(%arg11 : memref<128x128xf32, #tpu.memory_space<vmem>>) offsets(%dma_start3A_77 : memref<128xi32, #tpu.memory_space<vmem>>) semaphore(%arg14 : memref<!tpu.dma_semaphore, #tpu.memory_space<semaphore_mem>>)
          } else {
          }
          %scan3A_72 = arith.constant 0 : i32
          scf.yield %scan3A_72 : i32
        }
        %scan3A_40 = arith.constant 20 : i32
        %scan3A_41 = arith.constant 0 : i32
        scf.yield %scan3A_41 : i32
      }
      %scan3A_13 = arith.constant 2 : i32
      %barrier3A_14 = arith.constant 0 : index
      tpu.barrier barrier_id(%barrier3A_14)
      "tpu.region"() ({
        %run_scoped3A = tpu.sem_alloc : memref<!tpu.dma_semaphore, #tpu.memory_space<semaphore_mem>>
        %dma_start3A = arith.constant 0 : i32
        %dma_start3A_15 = tpu.memref_slice %arg6[%mul3A_7, %dma_start3A] : memref<10240x128xf32, #tpu.memory_space<hbm>> -> memref<640x128xf32, #tpu.memory_space<hbm>>
        %dma_start3A_16 = arith.constant 0 : i32
        %dma_start3A_17 = tpu.memref_slice %arg12[%mul3A_7, %dma_start3A_16] : memref<10240x128xf32, #tpu.memory_space<vmem_shared>> -> memref<640x128xf32, #tpu.memory_space<vmem_shared>>
        tpu.enqueue_dma source(%dma_start3A_17 : memref<640x128xf32, #tpu.memory_space<vmem_shared>>) target(%dma_start3A_15 : memref<640x128xf32, #tpu.memory_space<hbm>>) target_semaphore(%run_scoped3A : memref<!tpu.dma_semaphore, #tpu.memory_space<semaphore_mem>>)
        %dma_wait3A = arith.constant 0 : i32
        %dma_wait3A_18 = tpu.memref_slice %arg6[%mul3A_7, %dma_wait3A] : memref<10240x128xf32, #tpu.memory_space<hbm>> -> memref<640x128xf32, #tpu.memory_space<hbm>>
        %dma_wait3A_19 = arith.constant 0 : i32
        %dma_wait3A_20 = tpu.memref_slice %arg12[%mul3A_7, %dma_wait3A_19] : memref<10240x128xf32, #tpu.memory_space<vmem_shared>> -> memref<640x128xf32, #tpu.memory_space<vmem_shared>>
        tpu.wait_dma2 semaphore(%run_scoped3A : memref<!tpu.dma_semaphore, #tpu.memory_space<semaphore_mem>>) src(%dma_wait3A_20 : memref<640x128xf32, #tpu.memory_space<vmem_shared>>) dst(%dma_wait3A_18 : memref<640x128xf32, #tpu.memory_space<hbm>>)
        tpu.yield
      }) : () -> ()
    } else {
    }
    %eq3A_2 = arith.constant 1 : i32
    %eq3A_3 = arith.cmpi eq, %arg0, %eq3A_2 : i32
    %convert_element_type3A_4 = arith.extui %eq3A_3 : i1 to i32
    %cond3A_5 = arith.constant 0 : i32
    %cond3A_6 = arith.cmpi ne, %convert_element_type3A_4, %cond3A_5 : i32
    scf.if %cond3A_6 {
      %mul3A = arith.constant 640 : i32
      %mul3A_7 = arith.muli %arg1, %mul3A : i32
      "tpu.region"() ({
        %run_scoped3A = tpu.sem_alloc : memref<!tpu.dma_semaphore, #tpu.memory_space<semaphore_mem>>
        %dma_start3A = arith.constant 0 : i32
        %dma_start3A_15 = tpu.memref_slice %arg12[%mul3A_7, %dma_start3A] : memref<10240x128xf32, #tpu.memory_space<vmem_shared>> -> memref<640x128xf32, #tpu.memory_space<vmem_shared>>
        %dma_start3A_16 = arith.constant 0 : i32
        %dma_start3A_17 = tpu.memref_slice %arg5[%mul3A_7, %dma_start3A_16] : memref<10240x128xf32, #tpu.memory_space<hbm>> -> memref<640x128xf32, #tpu.memory_space<hbm>>
        tpu.enqueue_dma source(%dma_start3A_17 : memref<640x128xf32, #tpu.memory_space<hbm>>) target(%dma_start3A_15 : memref<640x128xf32, #tpu.memory_space<vmem_shared>>) target_semaphore(%run_scoped3A : memref<!tpu.dma_semaphore, #tpu.memory_space<semaphore_mem>>)
        %dma_wait3A = arith.constant 0 : i32
        %dma_wait3A_18 = tpu.memref_slice %arg12[%mul3A_7, %dma_wait3A] : memref<10240x128xf32, #tpu.memory_space<vmem_shared>> -> memref<640x128xf32, #tpu.memory_space<vmem_shared>>
        %dma_wait3A_19 = arith.constant 0 : i32
        %dma_wait3A_20 = tpu.memref_slice %arg5[%mul3A_7, %dma_wait3A_19] : memref<10240x128xf32, #tpu.memory_space<hbm>> -> memref<640x128xf32, #tpu.memory_space<hbm>>
        tpu.wait_dma2 semaphore(%run_scoped3A : memref<!tpu.dma_semaphore, #tpu.memory_space<semaphore_mem>>) src(%dma_wait3A_20 : memref<640x128xf32, #tpu.memory_space<hbm>>) dst(%dma_wait3A_18 : memref<640x128xf32, #tpu.memory_space<vmem_shared>>)
        tpu.yield
      }) : () -> ()
      %barrier3A = arith.constant 0 : index
      tpu.barrier barrier_id(%barrier3A)
      %scan3A = arith.constant 0 : i32
      %scan3A_8 = arith.constant 0 : i32
      %scan3A_9 = arith.constant 2 : i32
      %scan3A_10 = arith.addi %scan3A_8, %scan3A_9 : i32
      %scan3A_11 = arith.constant 1 : i32
      %scan3A_12 = scf.for %scan3A_15 = %scan3A_8 to %scan3A_10 step %scan3A_11 iter_args(%scan3A_16 = %scan3A) -> (i32)  : i32 {
        %mul3A_17 = arith.constant 80 : i32
        %mul3A_18 = arith.muli %arg1, %mul3A_17 : i32
        %mul3A_19 = arith.constant 40 : i32
        %mul3A_20 = arith.muli %scan3A_15, %mul3A_19 : i32
        %add3A = arith.addi %mul3A_18, %mul3A_20 : i32
        "tpu.region"() ({
          %run_scoped3A = tpu.sem_alloc : memref<!tpu.dma_semaphore, #tpu.memory_space<semaphore_mem>>
          %dma_start3A_42 = arith.constant 0 : i32
          %dma_start3A_43 = tpu.memref_slice %arg2[%add3A, %dma_start3A_42] : memref<1280x128xi32, #tpu.memory_space<hbm>> -> memref<40x128xi32, #tpu.memory_space<hbm>>
          %dma_start3A_44 = arith.constant 0 : i32
          %dma_start3A_45 = tpu.memref_slice %arg2[%add3A, %dma_start3A_44] : memref<1280x128xi32, #tpu.memory_space<hbm>> -> memref<40x128xi32, #tpu.memory_space<hbm>>
          tpu.enqueue_dma source(%dma_start3A_45 : memref<40x128xi32, #tpu.memory_space<hbm>>) target(%arg8 : memref<40x128xi32, #tpu.memory_space<vmem>>) target_semaphore(%run_scoped3A : memref<!tpu.dma_semaphore, #tpu.memory_space<semaphore_mem>>)
          %dma_wait3A = arith.constant 0 : i32
          %dma_wait3A_46 = tpu.memref_slice %arg2[%add3A, %dma_wait3A] : memref<1280x128xi32, #tpu.memory_space<hbm>> -> memref<40x128xi32, #tpu.memory_space<hbm>>
          %dma_wait3A_47 = arith.constant 0 : i32
          %dma_wait3A_48 = tpu.memref_slice %arg2[%add3A, %dma_wait3A_47] : memref<1280x128xi32, #tpu.memory_space<hbm>> -> memref<40x128xi32, #tpu.memory_space<hbm>>
          tpu.wait_dma2 semaphore(%run_scoped3A : memref<!tpu.dma_semaphore, #tpu.memory_space<semaphore_mem>>) src(%dma_wait3A_48 : memref<40x128xi32, #tpu.memory_space<hbm>>) dst(%arg8 : memref<40x128xi32, #tpu.memory_space<vmem>>)
          tpu.yield
        }) : () -> ()
        "tpu.region"() ({
          %run_scoped3A = tpu.sem_alloc : memref<!tpu.dma_semaphore, #tpu.memory_space<semaphore_mem>>
          %dma_start3A_42 = arith.constant 0 : i32
          %dma_start3A_43 = tpu.memref_slice %arg3[%add3A, %dma_start3A_42] : memref<1280x128xi32, #tpu.memory_space<hbm>> -> memref<40x128xi32, #tpu.memory_space<hbm>>
          %dma_start3A_44 = arith.constant 0 : i32
          %dma_start3A_45 = tpu.memref_slice %arg3[%add3A, %dma_start3A_44] : memref<1280x128xi32, #tpu.memory_space<hbm>> -> memref<40x128xi32, #tpu.memory_space<hbm>>
          tpu.enqueue_dma source(%dma_start3A_45 : memref<40x128xi32, #tpu.memory_space<hbm>>) target(%arg9 : memref<40x128xi32, #tpu.memory_space<vmem>>) target_semaphore(%run_scoped3A : memref<!tpu.dma_semaphore, #tpu.memory_space<semaphore_mem>>)
          %dma_wait3A = arith.constant 0 : i32
          %dma_wait3A_46 = tpu.memref_slice %arg3[%add3A, %dma_wait3A] : memref<1280x128xi32, #tpu.memory_space<hbm>> -> memref<40x128xi32, #tpu.memory_space<hbm>>
          %dma_wait3A_47 = arith.constant 0 : i32
          %dma_wait3A_48 = tpu.memref_slice %arg3[%add3A, %dma_wait3A_47] : memref<1280x128xi32, #tpu.memory_space<hbm>> -> memref<40x128xi32, #tpu.memory_space<hbm>>
          tpu.wait_dma2 semaphore(%run_scoped3A : memref<!tpu.dma_semaphore, #tpu.memory_space<semaphore_mem>>) src(%dma_wait3A_48 : memref<40x128xi32, #tpu.memory_space<hbm>>) dst(%arg9 : memref<40x128xi32, #tpu.memory_space<vmem>>)
          tpu.yield
        }) : () -> ()
        %dma_start3A = arith.constant 0 : i32
        %dma_start3A_21 = arith.constant 0 : i32
        %dma_start3A_22 = tpu.memref_slice %arg8[%dma_start3A, %dma_start3A_21] : memref<40x128xi32, #tpu.memory_space<vmem>> -> memref<1x128xi32, #tpu.memory_space<vmem>>
        %dma_start3A_23 = tpu.memref_squeeze %dma_start3A_22 : memref<1x128xi32, #tpu.memory_space<vmem>> -> memref<128xi32, #tpu.memory_space<vmem>>
        %dma_start3A_24 = arith.constant 0 : i32
        %dma_start3A_25 = arith.constant 0 : i32
        %dma_start3A_26 = tpu.memref_slice %arg5[%dma_start3A_24, %dma_start3A_25] : memref<10240x128xf32, #tpu.memory_space<hbm>> -> memref<10240x128xf32, #tpu.memory_space<hbm>>
        tpu.enqueue_indirect_dma source(%dma_start3A_26 : memref<10240x128xf32, #tpu.memory_space<hbm>>) target(%arg10 : memref<128x128xf32, #tpu.memory_space<vmem>>) offsets(%dma_start3A_23 : memref<128xi32, #tpu.memory_space<vmem>>) semaphore(%arg13 : memref<!tpu.dma_semaphore, #tpu.memory_space<semaphore_mem>>)
        %dma_start3A_27 = arith.constant 1 : i32
        %dma_start3A_28 = arith.constant 0 : i32
        %dma_start3A_29 = tpu.memref_slice %arg8[%dma_start3A_27, %dma_start3A_28] : memref<40x128xi32, #tpu.memory_space<vmem>> -> memref<1x128xi32, #tpu.memory_space<vmem>>
        %dma_start3A_30 = tpu.memref_squeeze %dma_start3A_29 : memref<1x128xi32, #tpu.memory_space<vmem>> -> memref<128xi32, #tpu.memory_space<vmem>>
        %dma_start3A_31 = arith.constant 0 : i32
        %dma_start3A_32 = arith.constant 0 : i32
        %dma_start3A_33 = tpu.memref_slice %arg5[%dma_start3A_31, %dma_start3A_32] : memref<10240x128xf32, #tpu.memory_space<hbm>> -> memref<10240x128xf32, #tpu.memory_space<hbm>>
        tpu.enqueue_indirect_dma source(%dma_start3A_33 : memref<10240x128xf32, #tpu.memory_space<hbm>>) target(%arg11 : memref<128x128xf32, #tpu.memory_space<vmem>>) offsets(%dma_start3A_30 : memref<128xi32, #tpu.memory_space<vmem>>) semaphore(%arg14 : memref<!tpu.dma_semaphore, #tpu.memory_space<semaphore_mem>>)
        %scan3A_34 = arith.constant 0 : i32
        %scan3A_35 = arith.constant 0 : i32
        %scan3A_36 = arith.constant 20 : i32
        %scan3A_37 = arith.addi %scan3A_35, %scan3A_36 : i32
        %scan3A_38 = arith.constant 1 : i32
        %scan3A_39 = scf.for %scan3A_42 = %scan3A_35 to %scan3A_37 step %scan3A_38 iter_args(%scan3A_43 = %scan3A_34) -> (i32)  : i32 {
          %mul3A_44 = arith.constant 2 : i32
          %mul3A_45 = arith.muli %mul3A_44, %scan3A_42 : i32
          %add3A_46 = arith.constant 1 : i32
          %add3A_47 = arith.addi %mul3A_45, %add3A_46 : i32
          %dma_wait3A = arith.constant 0 : i32
          %dma_wait3A_48 = tpu.memref_slice %arg8[%mul3A_45, %dma_wait3A] : memref<40x128xi32, #tpu.memory_space<vmem>> -> memref<1x128xi32, #tpu.memory_space<vmem>>
          %dma_wait3A_49 = tpu.memref_squeeze %dma_wait3A_48 : memref<1x128xi32, #tpu.memory_space<vmem>> -> memref<128xi32, #tpu.memory_space<vmem>>
          %dma_wait3A_50 = arith.constant 0 : i32
          %dma_wait3A_51 = arith.constant 0 : i32
          %dma_wait3A_52 = tpu.memref_slice %arg5[%dma_wait3A_50, %dma_wait3A_51] : memref<10240x128xf32, #tpu.memory_space<hbm>> -> memref<10240x128xf32, #tpu.memory_space<hbm>>
          tpu.wait_indirect_dma semaphore(%arg13 : memref<!tpu.dma_semaphore, #tpu.memory_space<semaphore_mem>>) src(%dma_wait3A_52 : memref<10240x128xf32, #tpu.memory_space<hbm>>) dst(%arg10 : memref<128x128xf32, #tpu.memory_space<vmem>>)
          "tpu.region"() ({
            %run_scoped3A = tpu.sem_alloc : memref<!tpu.dma_semaphore, #tpu.memory_space<semaphore_mem>>
            %dma_start3A_73 = arith.constant 0 : i32
            %dma_start3A_74 = tpu.memref_slice %arg9[%mul3A_45, %dma_start3A_73] : memref<40x128xi32, #tpu.memory_space<vmem>> -> memref<1x128xi32, #tpu.memory_space<vmem>>
            %dma_start3A_75 = tpu.memref_squeeze %dma_start3A_74 : memref<1x128xi32, #tpu.memory_space<vmem>> -> memref<128xi32, #tpu.memory_space<vmem>>
            %dma_start3A_76 = arith.constant 0 : i32
            %dma_start3A_77 = arith.constant 0 : i32
            %dma_start3A_78 = tpu.memref_slice %arg12[%dma_start3A_76, %dma_start3A_77] : memref<10240x128xf32, #tpu.memory_space<vmem_shared>> -> memref<10240x128xf32, #tpu.memory_space<vmem_shared>>
            tpu.enqueue_indirect_dma source(%arg10 : memref<128x128xf32, #tpu.memory_space<vmem>>) target(%dma_start3A_78 : memref<10240x128xf32, #tpu.memory_space<vmem_shared>>) offsets(%dma_start3A_75 : memref<128xi32, #tpu.memory_space<vmem>>) semaphore(%run_scoped3A : memref<!tpu.dma_semaphore, #tpu.memory_space<semaphore_mem>>) {add = true}
            %dma_wait3A_79 = arith.constant 0 : i32
            %dma_wait3A_80 = tpu.memref_slice %arg9[%mul3A_45, %dma_wait3A_79] : memref<40x128xi32, #tpu.memory_space<vmem>> -> memref<1x128xi32, #tpu.memory_space<vmem>>
            %dma_wait3A_81 = tpu.memref_squeeze %dma_wait3A_80 : memref<1x128xi32, #tpu.memory_space<vmem>> -> memref<128xi32, #tpu.memory_space<vmem>>
            %dma_wait3A_82 = arith.constant 0 : i32
            %dma_wait3A_83 = arith.constant 0 : i32
            %dma_wait3A_84 = tpu.memref_slice %arg12[%dma_wait3A_82, %dma_wait3A_83] : memref<10240x128xf32, #tpu.memory_space<vmem_shared>> -> memref<10240x128xf32, #tpu.memory_space<vmem_shared>>
            tpu.wait_indirect_dma semaphore(%run_scoped3A : memref<!tpu.dma_semaphore, #tpu.memory_space<semaphore_mem>>) src(%arg10 : memref<128x128xf32, #tpu.memory_space<vmem>>) dst(%dma_wait3A_84 : memref<10240x128xf32, #tpu.memory_space<vmem_shared>>)
            tpu.yield
          }) : () -> ()
          %add3A_53 = arith.constant 2 : i32
          %add3A_54 = arith.addi %mul3A_45, %add3A_53 : i32
          %lt3A = arith.constant 40 : i32
          %lt3A_55 = arith.cmpi slt, %add3A_54, %lt3A : i32
          %convert_element_type3A_56 = arith.extui %lt3A_55 : i1 to i32
          %cond3A_57 = arith.constant 0 : i32
          %cond3A_58 = arith.cmpi ne, %convert_element_type3A_56, %cond3A_57 : i32
          scf.if %cond3A_58 {
            %add3A_73 = arith.constant 2 : i32
            %add3A_74 = arith.addi %mul3A_45, %add3A_73 : i32
            %dma_start3A_75 = arith.constant 0 : i32
            %dma_start3A_76 = tpu.memref_slice %arg8[%add3A_74, %dma_start3A_75] : memref<40x128xi32, #tpu.memory_space<vmem>> -> memref<1x128xi32, #tpu.memory_space<vmem>>
            %dma_start3A_77 = tpu.memref_squeeze %dma_start3A_76 : memref<1x128xi32, #tpu.memory_space<vmem>> -> memref<128xi32, #tpu.memory_space<vmem>>
            %dma_start3A_78 = arith.constant 0 : i32
            %dma_start3A_79 = arith.constant 0 : i32
            %dma_start3A_80 = tpu.memref_slice %arg5[%dma_start3A_78, %dma_start3A_79] : memref<10240x128xf32, #tpu.memory_space<hbm>> -> memref<10240x128xf32, #tpu.memory_space<hbm>>
            tpu.enqueue_indirect_dma source(%dma_start3A_80 : memref<10240x128xf32, #tpu.memory_space<hbm>>) target(%arg10 : memref<128x128xf32, #tpu.memory_space<vmem>>) offsets(%dma_start3A_77 : memref<128xi32, #tpu.memory_space<vmem>>) semaphore(%arg13 : memref<!tpu.dma_semaphore, #tpu.memory_space<semaphore_mem>>)
          } else {
          }
          %dma_wait3A_59 = arith.constant 0 : i32
          %dma_wait3A_60 = tpu.memref_slice %arg8[%add3A_47, %dma_wait3A_59] : memref<40x128xi32, #tpu.memory_space<vmem>> -> memref<1x128xi32, #tpu.memory_space<vmem>>
          %dma_wait3A_61 = tpu.memref_squeeze %dma_wait3A_60 : memref<1x128xi32, #tpu.memory_space<vmem>> -> memref<128xi32, #tpu.memory_space<vmem>>
          %dma_wait3A_62 = arith.constant 0 : i32
          %dma_wait3A_63 = arith.constant 0 : i32
          %dma_wait3A_64 = tpu.memref_slice %arg5[%dma_wait3A_62, %dma_wait3A_63] : memref<10240x128xf32, #tpu.memory_space<hbm>> -> memref<10240x128xf32, #tpu.memory_space<hbm>>
          tpu.wait_indirect_dma semaphore(%arg14 : memref<!tpu.dma_semaphore, #tpu.memory_space<semaphore_mem>>) src(%dma_wait3A_64 : memref<10240x128xf32, #tpu.memory_space<hbm>>) dst(%arg11 : memref<128x128xf32, #tpu.memory_space<vmem>>)
          "tpu.region"() ({
            %run_scoped3A = tpu.sem_alloc : memref<!tpu.dma_semaphore, #tpu.memory_space<semaphore_mem>>
            %dma_start3A_73 = arith.constant 0 : i32
            %dma_start3A_74 = tpu.memref_slice %arg9[%add3A_47, %dma_start3A_73] : memref<40x128xi32, #tpu.memory_space<vmem>> -> memref<1x128xi32, #tpu.memory_space<vmem>>
            %dma_start3A_75 = tpu.memref_squeeze %dma_start3A_74 : memref<1x128xi32, #tpu.memory_space<vmem>> -> memref<128xi32, #tpu.memory_space<vmem>>
            %dma_start3A_76 = arith.constant 0 : i32
            %dma_start3A_77 = arith.constant 0 : i32
            %dma_start3A_78 = tpu.memref_slice %arg12[%dma_start3A_76, %dma_start3A_77] : memref<10240x128xf32, #tpu.memory_space<vmem_shared>> -> memref<10240x128xf32, #tpu.memory_space<vmem_shared>>
            tpu.enqueue_indirect_dma source(%arg11 : memref<128x128xf32, #tpu.memory_space<vmem>>) target(%dma_start3A_78 : memref<10240x128xf32, #tpu.memory_space<vmem_shared>>) offsets(%dma_start3A_75 : memref<128xi32, #tpu.memory_space<vmem>>) semaphore(%run_scoped3A : memref<!tpu.dma_semaphore, #tpu.memory_space<semaphore_mem>>) {add = true}
            %dma_wait3A_79 = arith.constant 0 : i32
            %dma_wait3A_80 = tpu.memref_slice %arg9[%add3A_47, %dma_wait3A_79] : memref<40x128xi32, #tpu.memory_space<vmem>> -> memref<1x128xi32, #tpu.memory_space<vmem>>
            %dma_wait3A_81 = tpu.memref_squeeze %dma_wait3A_80 : memref<1x128xi32, #tpu.memory_space<vmem>> -> memref<128xi32, #tpu.memory_space<vmem>>
            %dma_wait3A_82 = arith.constant 0 : i32
            %dma_wait3A_83 = arith.constant 0 : i32
            %dma_wait3A_84 = tpu.memref_slice %arg12[%dma_wait3A_82, %dma_wait3A_83] : memref<10240x128xf32, #tpu.memory_space<vmem_shared>> -> memref<10240x128xf32, #tpu.memory_space<vmem_shared>>
            tpu.wait_indirect_dma semaphore(%run_scoped3A : memref<!tpu.dma_semaphore, #tpu.memory_space<semaphore_mem>>) src(%arg11 : memref<128x128xf32, #tpu.memory_space<vmem>>) dst(%dma_wait3A_84 : memref<10240x128xf32, #tpu.memory_space<vmem_shared>>)
            tpu.yield
          }) : () -> ()
          %add3A_65 = arith.constant 2 : i32
          %add3A_66 = arith.addi %add3A_47, %add3A_65 : i32
          %lt3A_67 = arith.constant 40 : i32
          %lt3A_68 = arith.cmpi slt, %add3A_66, %lt3A_67 : i32
          %convert_element_type3A_69 = arith.extui %lt3A_68 : i1 to i32
          %cond3A_70 = arith.constant 0 : i32
          %cond3A_71 = arith.cmpi ne, %convert_element_type3A_69, %cond3A_70 : i32
          scf.if %cond3A_71 {
            %add3A_73 = arith.constant 2 : i32
            %add3A_74 = arith.addi %add3A_47, %add3A_73 : i32
            %dma_start3A_75 = arith.constant 0 : i32
            %dma_start3A_76 = tpu.memref_slice %arg8[%add3A_74, %dma_start3A_75] : memref<40x128xi32, #tpu.memory_space<vmem>> -> memref<1x128xi32, #tpu.memory_space<vmem>>
            %dma_start3A_77 = tpu.memref_squeeze %dma_start3A_76 : memref<1x128xi32, #tpu.memory_space<vmem>> -> memref<128xi32, #tpu.memory_space<vmem>>
            %dma_start3A_78 = arith.constant 0 : i32
            %dma_start3A_79 = arith.constant 0 : i32
            %dma_start3A_80 = tpu.memref_slice %arg5[%dma_start3A_78, %dma_start3A_79] : memref<10240x128xf32, #tpu.memory_space<hbm>> -> memref<10240x128xf32, #tpu.memory_space<hbm>>
            tpu.enqueue_indirect_dma source(%dma_start3A_80 : memref<10240x128xf32, #tpu.memory_space<hbm>>) target(%arg11 : memref<128x128xf32, #tpu.memory_space<vmem>>) offsets(%dma_start3A_77 : memref<128xi32, #tpu.memory_space<vmem>>) semaphore(%arg14 : memref<!tpu.dma_semaphore, #tpu.memory_space<semaphore_mem>>)
          } else {
          }
          %scan3A_72 = arith.constant 0 : i32
          scf.yield %scan3A_72 : i32
        }
        %scan3A_40 = arith.constant 20 : i32
        %scan3A_41 = arith.constant 0 : i32
        scf.yield %scan3A_41 : i32
      }
      %scan3A_13 = arith.constant 2 : i32
      %barrier3A_14 = arith.constant 0 : index
      tpu.barrier barrier_id(%barrier3A_14)
      "tpu.region"() ({
        %run_scoped3A = tpu.sem_alloc : memref<!tpu.dma_semaphore, #tpu.memory_space<semaphore_mem>>
        %dma_start3A = arith.constant 0 : i32
        %dma_start3A_15 = tpu.memref_slice %arg7[%mul3A_7, %dma_start3A] : memref<10240x128xf32, #tpu.memory_space<hbm>> -> memref<640x128xf32, #tpu.memory_space<hbm>>
        %dma_start3A_16 = arith.constant 0 : i32
        %dma_start3A_17 = tpu.memref_slice %arg12[%mul3A_7, %dma_start3A_16] : memref<10240x128xf32, #tpu.memory_space<vmem_shared>> -> memref<640x128xf32, #tpu.memory_space<vmem_shared>>
        tpu.enqueue_dma source(%dma_start3A_17 : memref<640x128xf32, #tpu.memory_space<vmem_shared>>) target(%dma_start3A_15 : memref<640x128xf32, #tpu.memory_space<hbm>>) target_semaphore(%run_scoped3A : memref<!tpu.dma_semaphore, #tpu.memory_space<semaphore_mem>>)
        %dma_wait3A = arith.constant 0 : i32
        %dma_wait3A_18 = tpu.memref_slice %arg7[%mul3A_7, %dma_wait3A] : memref<10240x128xf32, #tpu.memory_space<hbm>> -> memref<640x128xf32, #tpu.memory_space<hbm>>
        %dma_wait3A_19 = arith.constant 0 : i32
        %dma_wait3A_20 = tpu.memref_slice %arg12[%mul3A_7, %dma_wait3A_19] : memref<10240x128xf32, #tpu.memory_space<vmem_shared>> -> memref<640x128xf32, #tpu.memory_space<vmem_shared>>
        tpu.wait_dma2 semaphore(%run_scoped3A : memref<!tpu.dma_semaphore, #tpu.memory_space<semaphore_mem>>) src(%dma_wait3A_20 : memref<640x128xf32, #tpu.memory_space<vmem_shared>>) dst(%dma_wait3A_18 : memref<640x128xf32, #tpu.memory_space<hbm>>)
        tpu.yield
      }) : () -> ()
    } else {
    }
    return
  }
}

module attributes {stable_mosaic.version = 14 : i64} {
  func.func @_mm_body(%arg0: i32, %arg1: memref<2048x1xf32, #tpu.memory_space<vmem>>, %arg2: memref<2048x1xf32, #tpu.memory_space<vmem>>, %arg3: memref<2048x256xf32, #tpu.memory_space<vmem>>, %arg4: memref<256x256xf32, #tpu.memory_space<vmem>>, %arg5: memref<2048x128xf32, #tpu.memory_space<vmem>>, %arg6: memref<2048x128xf32, #tpu.memory_space<vmem>>, %arg7: memref<2048x1xf32, #tpu.memory_space<vmem>>) attributes {dimension_semantics = [#tpu.dimension_semantics<arbitrary>], iteration_bounds = array<i64: 5>, scalar_prefetch = 0 : i64, scratch_operands = 0 : i64, tpu.core_type = #tpu.core_type<tc>, window_params = [{transform_indices = @transform_0, window_bounds = array<i64: 2048, 1>}, {transform_indices = @transform_1, window_bounds = array<i64: 2048, 1>}, {transform_indices = @transform_2, window_bounds = array<i64: 2048, 256>}, {pipeline_mode = #tpu.pipeline_mode<synchronous>, transform_indices = @transform_3, window_bounds = array<i64: 256, 256>}, {transform_indices = @transform_4, window_bounds = array<i64: 2048, 128>}, {transform_indices = @transform_5, window_bounds = array<i64: 2048, 128>}, {transform_indices = @transform_6, window_bounds = array<i64: 2048, 1>}]} {
    %get3A = arith.constant 0 : index
    %get3A_0 = arith.constant 0 : index
    %get3A_1 = vector.load %arg1[%get3A, %get3A_0] : memref<2048x1xf32, #tpu.memory_space<vmem>>, vector<2048x1xf32>
    %get3A_2 = arith.constant 0 : index
    %get3A_3 = arith.constant 0 : index
    %get3A_4 = vector.load %arg2[%get3A_2, %get3A_3] : memref<2048x1xf32, #tpu.memory_space<vmem>>, vector<2048x1xf32>
    %add3A = arith.addf %get3A_1, %get3A_4 : vector<2048x1xf32>
    %add3A_5 = arith.constant 1.000000e+00 : f32
    %add3A_6 = vector.broadcast %add3A_5 : f32 to vector<2048x1xf32>
    %add3A_7 = arith.addf %add3A, %add3A_6 : vector<2048x1xf32>
    %rsqrt3A = math.rsqrt %add3A_7 : vector<2048x1xf32>
    %get3A_8 = arith.constant 0 : index
    %get3A_9 = arith.constant 0 : index
    %get3A_10 = vector.load %arg3[%get3A_8, %get3A_9] : memref<2048x256xf32, #tpu.memory_space<vmem>>, vector<2048x256xf32>
    %get3A_11 = arith.constant 0 : index
    %get3A_12 = arith.constant 0 : index
    %get3A_13 = vector.load %arg4[%get3A_11, %get3A_12] : memref<256x256xf32, #tpu.memory_space<vmem>>, vector<256x256xf32>
    %dot_general3A = arith.constant dense<0.000000e+00> : vector<2048x256xf32>
    %dot_general3A_14 = tpu.matmul %get3A_10, %get3A_13, %dot_general3A {dimension_numbers = #tpu.dot_dimension_numbers<[1], [0], [0], [1], [0, 0, 1, 1], [], []>, transpose_lhs_hint = false} : vector<2048x256xf32>, vector<256x256xf32>, vector<2048x256xf32> -> vector<2048x256xf32>
    %mul3A = vector.broadcast %rsqrt3A : vector<2048x1xf32> to vector<2048x256xf32>
    %mul3A_15 = arith.mulf %dot_general3A_14, %mul3A : vector<2048x256xf32>
    %slice3A = vector.extract_strided_slice %mul3A_15 {offsets = [0, 0], sizes = [2048, 128], strides = [1, 1]} : vector<2048x256xf32> to vector<2048x128xf32>
    %swap3A = arith.constant 0 : index
    %swap3A_16 = arith.constant 0 : index
    %swap3A_17 = vector.load %arg5[%swap3A, %swap3A_16] : memref<2048x128xf32, #tpu.memory_space<vmem>>, vector<2048x128xf32>
    tpu.vector_store %arg5[%swap3A, %swap3A_16], %slice3A {strides = array<i32>} : memref<2048x128xf32, #tpu.memory_space<vmem>>, vector<2048x128xf32>,
    %slice3A_18 = vector.extract_strided_slice %mul3A_15 {offsets = [0, 128], sizes = [2048, 128], strides = [1, 1]} : vector<2048x256xf32> to vector<2048x128xf32>
    %swap3A_19 = arith.constant 0 : index
    %swap3A_20 = arith.constant 0 : index
    %swap3A_21 = vector.load %arg6[%swap3A_19, %swap3A_20] : memref<2048x128xf32, #tpu.memory_space<vmem>>, vector<2048x128xf32>
    tpu.vector_store %arg6[%swap3A_19, %swap3A_20], %slice3A_18 {strides = array<i32>} : memref<2048x128xf32, #tpu.memory_space<vmem>>, vector<2048x128xf32>,
    %swap3A_22 = arith.constant 0 : index
    %swap3A_23 = arith.constant 0 : index
    %swap3A_24 = vector.load %arg7[%swap3A_22, %swap3A_23] : memref<2048x1xf32, #tpu.memory_space<vmem>>, vector<2048x1xf32>
    tpu.vector_store %arg7[%swap3A_22, %swap3A_23], %rsqrt3A {strides = array<i32>} : memref<2048x1xf32, #tpu.memory_space<vmem>>, vector<2048x1xf32>,
    return
  }
  func.func @transform_0(%arg0: i32) -> (i32, i32) {
    %c0_i32 = arith.constant 0 : i32
    %c0_i32_0 = arith.constant 0 : i32
    return %arg0, %c0_i32 : i32, i32
  }
  func.func @transform_1(%arg0: i32) -> (i32, i32) {
    %c0_i32 = arith.constant 0 : i32
    %c0_i32_0 = arith.constant 0 : i32
    return %arg0, %c0_i32 : i32, i32
  }
  func.func @transform_2(%arg0: i32) -> (i32, i32) {
    %c0_i32 = arith.constant 0 : i32
    %c0_i32_0 = arith.constant 0 : i32
    return %arg0, %c0_i32 : i32, i32
  }
  func.func @transform_3(%arg0: i32) -> (i32, i32) {
    %c0_i32 = arith.constant 0 : i32
    %c0_i32_0 = arith.constant 0 : i32
    %c0_i32_1 = arith.constant 0 : i32
    return %c0_i32, %c0_i32_0 : i32, i32
  }
  func.func @transform_4(%arg0: i32) -> (i32, i32) {
    %c0_i32 = arith.constant 0 : i32
    %c0_i32_0 = arith.constant 0 : i32
    return %arg0, %c0_i32 : i32, i32
  }
  func.func @transform_5(%arg0: i32) -> (i32, i32) {
    %c0_i32 = arith.constant 0 : i32
    %c0_i32_0 = arith.constant 0 : i32
    return %arg0, %c0_i32 : i32, i32
  }
  func.func @transform_6(%arg0: i32) -> (i32, i32) {
    %c0_i32 = arith.constant 0 : i32
    %c0_i32_0 = arith.constant 0 : i32
    return %arg0, %c0_i32 : i32, i32
  }
}

module attributes {stable_mosaic.version = 14 : i64} {
  func.func @_post_body(%arg0: i32, %arg1: memref<2048x256xf32, #tpu.memory_space<vmem>>, %arg2: memref<2048x128xf32, #tpu.memory_space<vmem>>, %arg3: memref<2048x128xf32, #tpu.memory_space<vmem>>, %arg4: memref<2048x1xf32, #tpu.memory_space<vmem>>, %arg5: memref<1x256xf32, #tpu.memory_space<vmem>>, %arg6: memref<1x256xf32, #tpu.memory_space<vmem>>, %arg7: memref<1x256xf32, #tpu.memory_space<vmem>>, %arg8: memref<256x256xf32, #tpu.memory_space<vmem>>, %arg9: memref<1x256xf32, #tpu.memory_space<vmem>>, %arg10: memref<2048x256xf32, #tpu.memory_space<vmem>>) attributes {dimension_semantics = [#tpu.dimension_semantics<arbitrary>], iteration_bounds = array<i64: 5>, scalar_prefetch = 0 : i64, scratch_operands = 0 : i64, tpu.core_type = #tpu.core_type<tc>, window_params = [{transform_indices = @transform_0, window_bounds = array<i64: 2048, 256>}, {transform_indices = @transform_1, window_bounds = array<i64: 2048, 128>}, {transform_indices = @transform_2, window_bounds = array<i64: 2048, 128>}, {transform_indices = @transform_3, window_bounds = array<i64: 2048, 1>}, {pipeline_mode = #tpu.pipeline_mode<synchronous>, transform_indices = @transform_4, window_bounds = array<i64: 1, 256>}, {pipeline_mode = #tpu.pipeline_mode<synchronous>, transform_indices = @transform_5, window_bounds = array<i64: 1, 256>}, {pipeline_mode = #tpu.pipeline_mode<synchronous>, transform_indices = @transform_6, window_bounds = array<i64: 1, 256>}, {pipeline_mode = #tpu.pipeline_mode<synchronous>, transform_indices = @transform_7, window_bounds = array<i64: 256, 256>}, {pipeline_mode = #tpu.pipeline_mode<synchronous>, transform_indices = @transform_8, window_bounds = array<i64: 1, 256>}, {transform_indices = @transform_9, window_bounds = array<i64: 2048, 256>}]} {
    %get3A = arith.constant 0 : index
    %get3A_0 = arith.constant 0 : index
    %get3A_1 = vector.load %arg2[%get3A, %get3A_0] : memref<2048x128xf32, #tpu.memory_space<vmem>>, vector<2048x128xf32>
    %get3A_2 = arith.constant 0 : index
    %get3A_3 = arith.constant 0 : index
    %get3A_4 = vector.load %arg3[%get3A_2, %get3A_3] : memref<2048x128xf32, #tpu.memory_space<vmem>>, vector<2048x128xf32>
    %concatenate3A = tpu.concatenate %get3A_1, %get3A_4 in 1 : vector<2048x128xf32>, vector<2048x128xf32> -> vector<2048x256xf32>
    %get3A_5 = arith.constant 0 : index
    %get3A_6 = arith.constant 0 : index
    %get3A_7 = vector.load %arg4[%get3A_5, %get3A_6] : memref<2048x1xf32, #tpu.memory_space<vmem>>, vector<2048x1xf32>
    %mul3A = vector.broadcast %get3A_7 : vector<2048x1xf32> to vector<2048x256xf32>
    %mul3A_8 = arith.mulf %concatenate3A, %mul3A : vector<2048x256xf32>
    %get3A_9 = arith.constant 0 : index
    %get3A_10 = arith.constant 0 : index
    %get3A_11 = vector.load %arg5[%get3A_9, %get3A_10] : memref<1x256xf32, #tpu.memory_space<vmem>>, vector<1x256xf32>
    %add3A = vector.broadcast %get3A_11 : vector<1x256xf32> to vector<2048x256xf32>
    %add3A_12 = arith.addf %mul3A_8, %add3A : vector<2048x256xf32>
    %reduce_sum3A = arith.constant dense<0.000000e+00> : vector<2048xf32>
    %reduce_sum3A_13 = vector.multi_reduction <add>, %add3A_12, %reduce_sum3A [1] : vector<2048x256xf32> to vector<2048xf32>
    %broadcast_in_dim3A = vector.shape_cast %reduce_sum3A_13 : vector<2048xf32> to vector<2048x1xf32>
    %div3A = arith.constant 2.560000e+02 : f32
    %div3A_14 = vector.broadcast %div3A : f32 to vector<2048x1xf32>
    %div3A_15 = arith.divf %broadcast_in_dim3A, %div3A_14 : vector<2048x1xf32>
    %sub3A = vector.broadcast %div3A_15 : vector<2048x1xf32> to vector<2048x256xf32>
    %sub3A_16 = arith.subf %add3A_12, %sub3A : vector<2048x256xf32>
    %mul3A_17 = arith.mulf %sub3A_16, %sub3A_16 : vector<2048x256xf32>
    %reduce_sum3A_18 = arith.constant dense<0.000000e+00> : vector<2048xf32>
    %reduce_sum3A_19 = vector.multi_reduction <add>, %mul3A_17, %reduce_sum3A_18 [1] : vector<2048x256xf32> to vector<2048xf32>
    %broadcast_in_dim3A_20 = vector.shape_cast %reduce_sum3A_19 : vector<2048xf32> to vector<2048x1xf32>
    %div3A_21 = arith.constant 2.560000e+02 : f32
    %div3A_22 = vector.broadcast %div3A_21 : f32 to vector<2048x1xf32>
    %div3A_23 = arith.divf %broadcast_in_dim3A_20, %div3A_22 : vector<2048x1xf32>
    %add3A_24 = arith.constant 9.99999974E-6 : f32
    %add3A_25 = vector.broadcast %add3A_24 : f32 to vector<2048x1xf32>
    %add3A_26 = arith.addf %div3A_23, %add3A_25 : vector<2048x1xf32>
    %rsqrt3A = math.rsqrt %add3A_26 : vector<2048x1xf32>
    %mul3A_27 = vector.broadcast %rsqrt3A : vector<2048x1xf32> to vector<2048x256xf32>
    %mul3A_28 = arith.mulf %sub3A_16, %mul3A_27 : vector<2048x256xf32>
    %get3A_29 = arith.constant 0 : index
    %get3A_30 = arith.constant 0 : index
    %get3A_31 = vector.load %arg6[%get3A_29, %get3A_30] : memref<1x256xf32, #tpu.memory_space<vmem>>, vector<1x256xf32>
    %mul3A_32 = vector.broadcast %get3A_31 : vector<1x256xf32> to vector<2048x256xf32>
    %mul3A_33 = arith.mulf %mul3A_28, %mul3A_32 : vector<2048x256xf32>
    %get3A_34 = arith.constant 0 : index
    %get3A_35 = arith.constant 0 : index
    %get3A_36 = vector.load %arg7[%get3A_34, %get3A_35] : memref<1x256xf32, #tpu.memory_space<vmem>>, vector<1x256xf32>
    %add3A_37 = vector.broadcast %get3A_36 : vector<1x256xf32> to vector<2048x256xf32>
    %add3A_38 = arith.addf %mul3A_33, %add3A_37 : vector<2048x256xf32>
    %get3A_39 = arith.constant 0 : index
    %get3A_40 = arith.constant 0 : index
    %get3A_41 = vector.load %arg1[%get3A_39, %get3A_40] : memref<2048x256xf32, #tpu.memory_space<vmem>>, vector<2048x256xf32>
    %add3A_42 = arith.addf %get3A_41, %add3A_38 : vector<2048x256xf32>
    %max3A = arith.constant 0.000000e+00 : f32
    %max3A_43 = vector.broadcast %max3A : f32 to vector<2048x256xf32>
    %max3A_44 = arith.maximumf %add3A_42, %max3A_43 : vector<2048x256xf32>
    %get3A_45 = arith.constant 0 : index
    %get3A_46 = arith.constant 0 : index
    %get3A_47 = vector.load %arg8[%get3A_45, %get3A_46] : memref<256x256xf32, #tpu.memory_space<vmem>>, vector<256x256xf32>
    %dot_general3A = arith.constant dense<0.000000e+00> : vector<2048x256xf32>
    %dot_general3A_48 = tpu.matmul %max3A_44, %get3A_47, %dot_general3A {dimension_numbers = #tpu.dot_dimension_numbers<[1], [0], [0], [1], [0, 0, 1, 1], [], []>, transpose_lhs_hint = false} : vector<2048x256xf32>, vector<256x256xf32>, vector<2048x256xf32> -> vector<2048x256xf32>
    %get3A_49 = arith.constant 0 : index
    %get3A_50 = arith.constant 0 : index
    %get3A_51 = vector.load %arg9[%get3A_49, %get3A_50] : memref<1x256xf32, #tpu.memory_space<vmem>>, vector<1x256xf32>
    %add3A_52 = vector.broadcast %get3A_51 : vector<1x256xf32> to vector<2048x256xf32>
    %add3A_53 = arith.addf %dot_general3A_48, %add3A_52 : vector<2048x256xf32>
    %swap3A = arith.constant 0 : index
    %swap3A_54 = arith.constant 0 : index
    %swap3A_55 = vector.load %arg10[%swap3A, %swap3A_54] : memref<2048x256xf32, #tpu.memory_space<vmem>>, vector<2048x256xf32>
    tpu.vector_store %arg10[%swap3A, %swap3A_54], %add3A_53 {strides = array<i32>} : memref<2048x256xf32, #tpu.memory_space<vmem>>, vector<2048x256xf32>,
    return
  }
  func.func @transform_0(%arg0: i32) -> (i32, i32) {
    %c0_i32 = arith.constant 0 : i32
    %c0_i32_0 = arith.constant 0 : i32
    return %arg0, %c0_i32 : i32, i32
  }
  func.func @transform_1(%arg0: i32) -> (i32, i32) {
    %c0_i32 = arith.constant 0 : i32
    %c0_i32_0 = arith.constant 0 : i32
    return %arg0, %c0_i32 : i32, i32
  }
  func.func @transform_2(%arg0: i32) -> (i32, i32) {
    %c0_i32 = arith.constant 0 : i32
    %c0_i32_0 = arith.constant 0 : i32
    return %arg0, %c0_i32 : i32, i32
  }
  func.func @transform_3(%arg0: i32) -> (i32, i32) {
    %c0_i32 = arith.constant 0 : i32
    %c0_i32_0 = arith.constant 0 : i32
    return %arg0, %c0_i32 : i32, i32
  }
  func.func @transform_4(%arg0: i32) -> (i32, i32) {
    %c0_i32 = arith.constant 0 : i32
    %c0_i32_0 = arith.constant 0 : i32
    %c0_i32_1 = arith.constant 0 : i32
    return %c0_i32, %c0_i32_0 : i32, i32
  }
  func.func @transform_5(%arg0: i32) -> (i32, i32) {
    %c0_i32 = arith.constant 0 : i32
    %c0_i32_0 = arith.constant 0 : i32
    %c0_i32_1 = arith.constant 0 : i32
    return %c0_i32, %c0_i32_0 : i32, i32
  }
  func.func @transform_6(%arg0: i32) -> (i32, i32) {
    %c0_i32 = arith.constant 0 : i32
    %c0_i32_0 = arith.constant 0 : i32
    %c0_i32_1 = arith.constant 0 : i32
    return %c0_i32, %c0_i32_0 : i32, i32
  }
  func.func @transform_7(%arg0: i32) -> (i32, i32) {
    %c0_i32 = arith.constant 0 : i32
    %c0_i32_0 = arith.constant 0 : i32
    %c0_i32_1 = arith.constant 0 : i32
    return %c0_i32, %c0_i32_0 : i32, i32
  }
  func.func @transform_8(%arg0: i32) -> (i32, i32) {
    %c0_i32 = arith.constant 0 : i32
    %c0_i32_0 = arith.constant 0 : i32
    %c0_i32_1 = arith.constant 0 : i32
    return %c0_i32, %c0_i32_0 : i32, i32
  }
  func.func @transform_9(%arg0: i32) -> (i32, i32) {
    %c0_i32 = arith.constant 0 : i32
    %c0_i32_0 = arith.constant 0 : i32
    return %arg0, %c0_i32 : i32, i32
  }
}

</mosaic_0001>

<sc_bundles>
// kernel: kernel.6.cloned.1.call-start
scs
__scs_entry_jumppad:
0x0: {  	(pc) =	sbr.rel $0x88, $3  }
0x1: {  	(tag) =	ssettag $0x0;
	lr =	simm.s32 $0x1  }
0x2: {  	[smem:$0x3F99] =	sst lr;
	_ =	strace $0xD0000000  }
0x3: {  	_ = 	snop  }
0x4: {  	_ = 	snop  }
0x5: {  	_ = 	snop  }
0x6: {  	_ = 	snop  }
0x7: {  	_ = 	snop  }
__scs_overlays_trampoline_lowered:
0x8: {  	[smem:$0x3FA8] =	sst s0  }
0x9: {  	[smem:$0x3FA9] =	sst s1  }
0xa: {  	[smem:$0x3FAA] =	sst s2  }
0xb: {  	[smem:$0x3FAB] =	sst s3  }
0xc: {  	[smem:$0x3FAC] =	sst s4  }
0xd: {  	[smem:$0x3FAD] =	sst s5  }
0xe: {  	[smem:$0x3FAE] =	sst s6  }
0xf: {  	[smem:$0x3FAF] =	sst s7  }
0x10: {  	[smem:$0x3FB0] =	sst s8  }
0x11: {  	[smem:$0x3FB1] =	sst s9;
	s0 =	simm.s32 @!p0 $0x0  }
0x12: {  	s1 =	sld [smem:$0x3F97];
	s0 =	simm.s32 @p0 $0x1  }
0x13: {  	[smem:$0x3FB2] =	sst s0;
	s0 =	simm.s32 @!p1 $0x0  }
0x14: {  	s2 =	sld [smem:$0x3F96];
	s0 =	simm.s32 @p1 $0x1  }
0x15: {  	[smem:$0x3FB3] =	sst s0;
	s0 =	simm.s32 @!p2 $0x0  }
0x16: {  	s3 =	sld [smem:$0x3FDB];
	s0 =	simm.s32 @p2 $0x1  }
0x17: {  	s4 =	simm.s32 $0x1BF5;
	[smem:$0x3FB5] =	sst s0  }
0x18: {  	s0 =	sld [smem:$0x3F98];
	_ =	swait.ge [sflag:s4], $0x0  }
0x19: {  	s7 =	sld [smem:$0x3F99]  }
0x1a: {  	s8 =	sadd.s32 $0xFFFFE003, lr  }
0x1b: {  	s9 =	sadd.s32 $0xFFFFFEF7, lr;
	s5 =	simm.s32 $0xFFFFFFFF;
	p2 =	slt.u32 s8, $0xFFFFF086  }
0x1c: {  	p1 =	slt.u32 s9, $0xF7A;
	s5 =	simm.s32 @!p2 $0x0  }
0x1d: {  	s5 =	simm.s32 @p1 $0x1;
	p0 =	seq.s32 s7, s2  }
0x1e: {  	s7 =	smul.u32 @!p0 $0xF7A, s2;
	p2 =	seq.s32 @!p0 s5, $0x0  }
0x1f: {  	s9 =	smul.u32 $0xF7A, s1;
	s8 =	simm.s32 @!p0 $0x1BF5;
	p2 =	por !p2, p0  }
0x20: {  	[sflag:s8] =	ssyncset.s32 @!p0 $0xFFFFF086;
	s6 =	sadd.s32 @!p0 s3, s7;
	s7 =	simm.s32 @!p0 $0x108  }
0x21: {  	s3 =	sadd.s32 s3, s9;
	s6 =	sadd.s32 @!p0 $0x88, s6;
	s7 =	simm.s32 @p2 $0x1082  }
0x22: {  	[simem:s7], [sflag:s8] =	dma.local @!p0 [hbm:s6], $0xF7A  }
0x23: {  	s9 =	sor.u32 $0xD0000000, s2;
	s6 =	simm.s32 $0x108;
	_ =	swait.ge @!p0 [sflag:s8], $0x0  }
0x24: {  	s3 =	sadd.s32 $0x88, s3;
	s6 =	simm.s32 @!p1 $0x1082;
	[sflag:s4] =	ssyncset.s32 $0xFFFFF086  }
0x25: {  	[simem:s6], [sflag:s4] =	dma.local [hbm:s3], $0xF7A  }
0x26: {  	[smem:$0x3F99] =	sst s1;
	(tag) =	ssettag s2;
	_ =	strace s9  }
0x27: {  	s1 =	sld [smem:$0x3FA9]  }
0x28: {  	s2 =	sld [smem:$0x3FAA]  }
0x29: {  	s4 =	sld [smem:$0x3FAC]  }
0x2a: {  	p0 =	seq.s32 s5, $0x0;
	s5 =	sld [smem:$0x3FAD]  }
0x2b: {  	s6 =	sld [smem:$0x3FAE]  }
0x2c: {  	s7 =	sld [smem:$0x3FAF]  }
0x2d: {  	s3 =	simm.s32 $0x108;
	s8 =	sld [smem:$0x3FB0]  }
0x2e: {  	s3 =	simm.s32 @!p0 $0x1082;
	s9 =	sld [smem:$0x3FB1]  }
0x2f: {  	lr =	sadd.s32 s0, s3;
	s0 =	sld [smem:$0x3FA8]  }
0x30: {  	s3 =	sld [smem:$0x3FAB]  }
0x31: {  	[smem:$0x3FB4] =	sst s10  }
0x32: {  	s10 =	sld [smem:$0x3FB2];
	_ =	sdelay $0x3  }
0x33: {  	p0 =	seq.s32 s10, $0x1;
	s10 =	sld [smem:$0x3FB4];
	_ =	sdelay $0x3  }
0x34: {  	[smem:$0x3FB4] =	sst s10  }
0x35: {  	s10 =	sld [smem:$0x3FB3];
	_ =	sdelay $0x3  }
0x36: {  	p1 =	seq.s32 s10, $0x1;
	s10 =	sld [smem:$0x3FB4];
	_ =	sdelay $0x3  }
0x37: {  	[smem:$0x3FB4] =	sst s10  }
0x38: {  	s10 =	sld [smem:$0x3FB5]  }
0x39: {  	_ = 	snop;
	(pc) =	sbr.ind lr, $3  }
0x3a: {  	_ = 	snop  }
0x3b: {  	_ = 	snop  }
0x3c: {  	p2 =	seq.s32 s10, $0x1;
	s10 =	sld [smem:$0x3FB4]  }
0x3d: {  	_ =	shalt  }
0x3e: {  	_ =	shalt  }
0x3f: {  	_ =	shalt  }
0x40: {  	_ =	shalt  }
0x41: {  	_ =	shalt  }
0x42: {  	_ =	shalt  }
0x43: {  	_ =	shalt  }
0x44: {  	_ =	shalt  }
0x45: {  	_ =	shalt  }
0x46: {  	_ =	shalt  }
0x47: {  	_ =	shalt  }
0x48: {  	_ =	shalt  }
0x49: {  	_ =	shalt  }
0x4a: {  	_ =	shalt  }
0x4b: {  	_ =	shalt  }
0x4c: {  	_ =	shalt  }
0x4d: {  	_ =	shalt  }
0x4e: {  	_ =	shalt  }
0x4f: {  	_ =	shalt  }
0x50: {  	_ =	shalt  }
0x51: {  	_ =	shalt  }
0x52: {  	_ =	shalt  }
0x53: {  	_ =	shalt  }
0x54: {  	_ =	shalt  }
0x55: {  	_ =	shalt  }
0x56: {  	_ =	shalt  }
0x57: {  	_ =	shalt  }
0x58: {  	_ =	shalt  }
0x59: {  	_ =	shalt  }
0x5a: {  	_ =	shalt  }
0x5b: {  	_ =	shalt  }
0x5c: {  	_ =	shalt  }
0x5d: {  	_ =	shalt  }
0x5e: {  	_ =	shalt  }
0x5f: {  	_ =	shalt  }
0x60: {  	_ =	shalt  }
0x61: {  	_ =	shalt  }
0x62: {  	_ =	shalt  }
0x63: {  	_ =	shalt  }
0x64: {  	_ =	shalt  }
0x65: {  	_ =	shalt  }
0x66: {  	_ =	shalt  }
0x67: {  	_ =	shalt  }
0x68: {  	_ =	shalt  }
0x69: {  	_ =	shalt  }
0x6a: {  	_ =	shalt  }
0x6b: {  	_ =	shalt  }
0x6c: {  	_ =	shalt  }
0x6d: {  	_ =	shalt  }
0x6e: {  	_ =	shalt  }
0x6f: {  	_ =	shalt  }
0x70: {  	_ =	shalt  }
0x71: {  	_ =	shalt  }
0x72: {  	_ =	shalt  }
0x73: {  	_ =	shalt  }
0x74: {  	_ =	shalt  }
0x75: {  	_ =	shalt  }
0x76: {  	_ =	shalt  }
0x77: {  	_ =	shalt  }
0x78: {  	_ =	shalt  }
0x79: {  	_ =	shalt  }
0x7a: {  	_ =	shalt  }
0x7b: {  	_ =	shalt  }
0x7c: {  	_ =	shalt  }
0x7d: {  	_ =	shalt  }
0x7e: {  	_ =	shalt  }
0x7f: {  	_ =	shalt  }
0x80: {  	_ =	shalt  }
0x81: {  	_ =	shalt  }
0x82: {  	_ =	shalt  }
0x83: {  	_ =	shalt  }
0x84: {  	_ =	shalt  }
0x85: {  	_ =	shalt  }
0x86: {  	_ =	shalt  }
0x87: {  	_ =	shalt  }
.Lfunc_end0:
.L_simem_size_0:
called_computation_lowered:
.L_overlay_start_0:
0x88: {  	s2 =	sld [smem:$0x3FD9]  }
0x89: {  	s3 =	sld [smem:$0x3FFE];
	_ =	sdelay $0x1  }
0x8a: {  	s1 =	srdreg.scid  }
0x8b: {  	s0 =	sand.u32 $0x1, s1  }
0x8c: {  	s16 =	sshll.u32 s0, $0xA;
	s2 =	sadd.s32 s3, s2  }
0x8d: {  	s2 =	sadd.s32 s2, s16  }
0x8e: {  	[smem:$0x3FC0] =	sst s2  }
0x8f: {  	_ = 	snop  }
0x90: {  	(tm) =	ssettm $0x1  }
0x91: {  	s17 =	sld [smem:$0x3FFB];
	_ =	sdelay $0x3  }
0x92: {  	_ =	strace s17  }
0x93: {  	s2 =	sld [smem:$0x3FFC];
	_ =	sdelay $0x3  }
0x94: {  	_ =	strace s2  }
0x95: {  	s2 =	sld [smem:$0x3FFD];
	_ =	sdelay $0x3  }
0x96: {  	_ =	strace s2  }
0x97: {  	_ =	strace $0x8FFFFFFF  }
0x98: {  	s18 =	sld [smem:$0x3FDB];
	_ =	sdelay $0x1  }
0x99: {  	s19 =	simm.s32 $_scs_section_size  }
0x9a: {  	s4 =	simm.s32 $_size__tile_overlayer_lowered;
	s5 =	simm.s32 $_tile_overlayer_lowered  }
0x9b: {  	s22 =	simm.s32 $0x1BFF;
	s21 =	sshll.u32 s5, $0x1;
	s2 =	sadd.s32 s19, s18  }
0x9c: {  	s6 =	simm.s32 $0x0;
	s20 =	sshll.u32 s4, $0x1;
	s4 =	sadd.s32 s21, s2  }
0x9d: {  	[timem:s6], [sflag:s22] =	dma.local [hbm:s4], s20  }
0x9e: {  	_ =	swait.ge [sflag:s22], s20  }
0x9f: {  	s3 =	ssub.s32 $0x0, s20;
	[sflag:s22] =	ssyncset.done $0x0  }
0xa0: {  	[sflag:s22] =	ssyncadd.s32 s3;
	_ =	sdelay $0x1  }
0xa1: {  	s23 =	simm.s32 $0x1B8B  }
0xa2: {  	_ =	swait.ge [sflag:s23], $0x1  }
0xa3: {  	[sflag:s23] =	ssyncset.done $0x0  }
0xa4: {  	s25 =	simm.s32 $0x1B8E;
	s24 =	sld [smem:$0x3FFE];
	[sflag:s23] =	ssyncadd.s32 $0xFFFFFFFF  }
0xa5: {  	s26 =	simm.s32 $execute0_lowered;
	[smem:$0x3FD2] =	sst s25  }
0xa6: {  	s4 =	sshll.u32 s26, $0x1;
	_ =	strace $0x80000046;
	[dreg:$0x1] =	wrdreg $0xFFFFFFFF  }
0xa7: {  	s28 =	simm.s32 $_size_execute0_lowered;
	s2 =	sadd.s32 s2, s4;
	[dreg:$0x0] =	wrdreg $0x0  }
0xa8: {  	s4 =	sshll.u32 s28, $0x1;
	[dreg:$0x2] =	wrdreg s2  }
0xa9: {  	[dreg:$0x3] =	wrdreg s4  }
0xaa: {  	[dreg:$0x4] =	wrdreg $0xC0  }
0xab: {  	_ =	task [dreg:s6], $0x5FFFF  }
0xac: {  	[dreg:$0x1] =	wrdreg $0xFFFFFFFF  }
0xad: {  	[dreg:$0x0] =	wrdreg $0x60  }
0xae: {  	[dreg:$0x2] =	wrdreg s24  }
0xaf: {  	[dreg:$0x3] =	wrdreg $0x17000  }
0xb0: {  	[dreg:$0x4] =	wrdreg $0x9  }
0xb1: {  	_ =	task.clear_ibuf [dreg:s6], $0x5FFFF;
	_ =	strace $0x90000046  }
0xb2: {  	s29 =	simm.s32 $0x9;
	_ =	strace $0x80000048  }
0xb3: {  	_ =	swait.ge [sflag:s29], $0x1  }
0xb4: {  	[sflag:s29] =	ssyncadd.s32 $0xFFFFFFFF  }
0xb5: {  	_ =	strace $0x90000048  }
0xb6: {  	_ =	sfence  }
0xb7: {  	s30 =	sld [smem:$0x0];
	_ =	sdelay $0x2  }
0xb8: {  	s31 =	sshll.u32 s1, $0xD;
	s1 =	sshrl.u32 s1, $0x2  }
0xb9: {  	s3 =	sand.u32 $0x4000, s31;
	s1 =	sadd.s32 s1, s30  }
0xba: {  	s0 =	sor.u32 s3, s0;
	s1 =	sshll.u32 s1, $0x11  }
0xbb: {  	s0 =	sor.u32 s1, s0  }
0xbc: {  	s0 =	sadd.s32 $0x8F2B, s0  }
0xbd: {  	[sflag:s0] =	ssyncadd.remote.s32 $0x1  }
0xbe: {  	_ =	sfence.sel $0xFFFF  }
0xbf: {  	[dreg:$0x0] =	wrdreg $0xFFFFFFFF;
	(pc) =	sbr.abs _section_cstart, $3  }
0xc0: {  	[dreg:$0x1] =	wrdreg $0xFFFFFFFF  }
0xc1: {  	_ =	task.clear_ibuf [dreg:s6], $0x2FFFF;
	_ =	strace $0x9FFFFFFF  }
0xc2: {  	(tm) =	ssettm $0x7FFFFFFF  }
0xc3: {  	_ =	shalt  }
tec
execute0_lowered:
.L_overlay_start_1:
0x0: {  	(tag) =	ssettag $0x1  }
0x1: {  	s5 =	rddreg [dreg:$0x0]  }
0x2: {  	s2 =	rddreg [dreg:$0x1]  }
0x3: {  	s0 =	rddreg [dreg:$0x2];
	s1 =	stileid.u32  }
0x4: {  	s3 =	simm.s32 $0x0;
	s4 =	srdreg.scid;
	s11 =	simm.s32 $0x1480  }
0x5: {  	s12 =	simm.s32 $0x1;
	s13 =	simm.s32 $0x80;
	s14 =	simm.s32 $0x1400  }
0x6: {  	s15 =	simm.s32 $0x0;
	s8 =	smul.u32 $0x280, s1;
	[smem:$0x7FF] =	sst s3  }
.Ltmp0:
0x7: {  	s6 =	sand.u32 $0x1, s4;
	s4 =	sadd.s32 $0xC800, s5;
	(pc) =	sbr.rel .LBB2_1-.Ltmp0, $4  }
0x8: {  	_ =	strace $0x80000047;
	s7 =	ssub.s32 $0x2, s6;
	p0 =	seq.s32 s6, $0x1  }
0x9: {  	s9 =	sadd.s32 s8, s5;
	s5 =	sadd.s32 $0xC200, s5;
	s10 =	sshrl.u32 s7, $0x1  }
0xa: {  	s6 =	sadd.s32 s8, s2;
	s8 =	sshrl.u32 s8, $0x3;
	s10 =	ssub.s32 s7, s10  }
0xb: {  	v0 =	vimm.f32 $1.000000000e+00;
	v1 =	vimm.f32 $0.0e+00;
	s7 =	sadd.s32 $0x2200, s9;
	s9 =	sadd.s32 $0x4A00, s9;
	s10 =	smax.u32 s10, $0x1  }
.LBB2_7:
0xc: {  	[sflag:s12] =	ssyncadd.s32 $0xFFFFFF80;
	s16 =	smov.u32 s5  }
.LBB2_8:
0xd: {  	[bflag:$0x0] =	sbarrier.arrive $0xFFFF  }
0xe: {  	[tilespmem:s11], [sflag:$0x1] =	stream.linear.gather [spmem:s6], $0x280, $0x38;
	[tilespmem:$0x1980] =	vst v63  }
0xf: {  	s15 =	sadd.s32 $0x1, s15;
	_ =	swait.ge [sflag:s12], $0x280  }
0x10: {  	p1 =	sne.s32 s15, s10;
	[sflag:s12] =	ssyncset.done $0x0  }
.Ltmp1:
0x11: {  	s16 =	sadd.s32 s16, s8;
	[sflag:s12] =	ssyncadd.s32 $0xFFFFFD80;
	(pc) =	sbr.rel @!p1 .LBB2_9-.Ltmp1, $4  }
0x12: {  	[hbm4b:s16+s3] =	stream.linear.scatter [tilespmem:s11], [sflag:$0x1], $0x280, $0x38;
	[tilespmem:$0x1980] =	vst v63  }
0x13: {  	_ =	swait.ge [sflag:s12], $0x280  }
0x14: {  	[sflag:s12] =	ssyncset.done $0x0  }
0x15: {  	[sflag:s12] =	ssyncadd.s32 $0xFFFFFD80  }
.LBB2_1:
.Ltmp2:
0x16: {  	(pc) =	sbr.rel @!p0 .LBB2_2-.Ltmp2, $2  }
0x17: {  	_ =	sdelay $0x2  }
0x18: {  	[tilespmem:$0x1400] =	vst v0  }
0x19: {  	[tilespmem:$0x1410] =	vst v0  }
0x1a: {  	[tilespmem:$0x1420] =	vst v0  }
0x1b: {  	[tilespmem:$0x1430] =	vst v0  }
0x1c: {  	[tilespmem:$0x1440] =	vst v0  }
0x1d: {  	[tilespmem:$0x1450] =	vst v0  }
0x1e: {  	[tilespmem:$0x1460] =	vst v0  }
0x1f: {  	[tilespmem:$0x1470] =	vst v0  }
0x20: {  	[tilespmem:$0x1480] =	vst v1  }
0x21: {  	[tilespmem:$0x1490] =	vst v1  }
0x22: {  	[tilespmem:$0x14A0] =	vst v1  }
0x23: {  	[tilespmem:$0x14B0] =	vst v1  }
0x24: {  	[tilespmem:$0x14C0] =	vst v1  }
0x25: {  	[tilespmem:$0x14D0] =	vst v1  }
0x26: {  	[tilespmem:$0x14E0] =	vst v1  }
0x27: {  	[tilespmem:$0x14F0] =	vst v1  }
0x28: {  	[tilespmem:$0x1500] =	vst v1  }
0x29: {  	[tilespmem:$0x1510] =	vst v1  }
0x2a: {  	[tilespmem:$0x1520] =	vst v1  }
0x2b: {  	[tilespmem:$0x1530] =	vst v1  }
0x2c: {  	[tilespmem:$0x1540] =	vst v1  }
0x2d: {  	[tilespmem:$0x1550] =	vst v1  }
0x2e: {  	[tilespmem:$0x1560] =	vst v1  }
0x2f: {  	[tilespmem:$0x1570] =	vst v1  }
0x30: {  	[tilespmem:$0x1580] =	vst v1  }
0x31: {  	[tilespmem:$0x1590] =	vst v1  }
0x32: {  	[tilespmem:$0x15A0] =	vst v1  }
0x33: {  	[tilespmem:$0x15B0] =	vst v1  }
0x34: {  	[tilespmem:$0x15C0] =	vst v1  }
0x35: {  	[tilespmem:$0x15D0] =	vst v1  }
0x36: {  	[tilespmem:$0x15E0] =	vst v1  }
0x37: {  	[tilespmem:$0x15F0] =	vst v1  }
0x38: {  	[tilespmem:$0x1600] =	vst v1  }
0x39: {  	[tilespmem:$0x1610] =	vst v1  }
0x3a: {  	[tilespmem:$0x1620] =	vst v1  }
0x3b: {  	[tilespmem:$0x1630] =	vst v1  }
0x3c: {  	[tilespmem:$0x1640] =	vst v1  }
0x3d: {  	[tilespmem:$0x1650] =	vst v1  }
0x3e: {  	[tilespmem:$0x1660] =	vst v1  }
0x3f: {  	[tilespmem:$0x1670] =	vst v1  }
0x40: {  	[tilespmem:$0x1680] =	vst v1  }
0x41: {  	[tilespmem:$0x1690] =	vst v1  }
0x42: {  	[tilespmem:$0x16A0] =	vst v1  }
0x43: {  	[tilespmem:$0x16B0] =	vst v1  }
0x44: {  	[tilespmem:$0x16C0] =	vst v1  }
0x45: {  	[tilespmem:$0x16D0] =	vst v1  }
0x46: {  	[tilespmem:$0x16E0] =	vst v1  }
0x47: {  	[tilespmem:$0x16F0] =	vst v1  }
0x48: {  	[spmem:s6] =	stream.linear.scatter [tilespmem:s11], [sflag:$0x1], $0x280, $0x38;
	[tilespmem:$0x1980] =	vst v63  }
0x49: {  	_ =	swait.ge [sflag:s12], $0x280  }
0x4a: {  	[sflag:s12] =	ssyncset.done $0x0  }
0x4b: {  	s16 =	simm.s32 $0x0;
	[sflag:s12] =	ssyncadd.s32 $0xFFFFFD80  }
0x4c: {  	[tilespmem:s16], [sflag:$0x1] =	stream.linear.gather [hbm4b:s9+s16], $0x1400, $0x38;
	[tilespmem:$0x1980] =	vst v63  }
0x4d: {  	_ =	swait.ge [sflag:s12], $0x1400  }
0x4e: {  	[sflag:s12] =	ssyncset.done $0x0  }
0x4f: {  	[sflag:s12] =	ssyncadd.s32 $0xFFFFEC00  }
0x50: {  	s31 =	simm.s32 $0x0;
	[bflag:$0x0] =	sbarrier.arrive $0xFFFF  }
0x51: {  	[spmem:s2] =	stream.indirect.scatter.add.f32 [tilespmem:s14], [sflag:$0x1], $0x1, s31, s13, $0xb8;
	[tilespmem:$0x1980] =	vst v63  }
0x52: {  	_ =	swait.ge [sflag:s12], $0x80  }
0x53: {  	s16 =	simm.s32 $0x200;
	[sflag:s12] =	ssyncset.done $0x0  }
.LBB2_6:
0x54: {  	s17 =	sshra.s32 s16, $0x2;
	[sflag:s12] =	ssyncadd.s32 $0xFFFFFF80;
	p1 =	sne.s32 s16, $0x4E00  }
0x55: {  	[spmem:s2] =	stream.indirect.scatter.add.f32 [tilespmem:s14], [sflag:$0x1], $0x1, s17, s13, $0xb8;
	[tilespmem:$0x1980] =	vst v63  }
.Ltmp3:
0x56: {  	_ = 	snop;
	(pc) =	sbr.rel @p1 .LBB2_6-.Ltmp3, $4  }
0x57: {  	_ = 	snop  }
0x58: {  	s16 =	sadd.s32 $0x200, s16  }
0x59: {  	_ =	swait.ge [sflag:s12], $0x80  }
0x5a: {  	[sflag:s12] =	ssyncset.done $0x0  }
.Ltmp4:
0x5b: {  	_ = 	snop;
	(pc) =	sbr.rel .LBB2_7-.Ltmp4, $1  }
0x5c: {  	_ =	sdelay $0x3  }
.LBB2_2:
0x5d: {  	[tilespmem:$0x1410] =	vst v0  }
0x5e: {  	[tilespmem:$0x1420] =	vst v0  }
0x5f: {  	[tilespmem:$0x1430] =	vst v0  }
0x60: {  	[tilespmem:$0x1440] =	vst v0  }
0x61: {  	[tilespmem:$0x1450] =	vst v0  }
0x62: {  	[tilespmem:$0x1460] =	vst v0  }
0x63: {  	[tilespmem:$0x1470] =	vst v0  }
0x64: {  	[tilespmem:$0x1480] =	vst v1  }
0x65: {  	[tilespmem:$0x1490] =	vst v1  }
0x66: {  	[tilespmem:$0x14A0] =	vst v1  }
0x67: {  	[tilespmem:$0x14B0] =	vst v1  }
0x68: {  	[tilespmem:$0x14C0] =	vst v1  }
0x69: {  	[tilespmem:$0x14D0] =	vst v1  }
0x6a: {  	[tilespmem:$0x14E0] =	vst v1  }
0x6b: {  	[tilespmem:$0x14F0] =	vst v1  }
0x6c: {  	[tilespmem:$0x1500] =	vst v1  }
0x6d: {  	[tilespmem:$0x1510] =	vst v1  }
0x6e: {  	[tilespmem:$0x1520] =	vst v1  }
0x6f: {  	[tilespmem:$0x1530] =	vst v1  }
0x70: {  	[tilespmem:$0x1540] =	vst v1  }
0x71: {  	[tilespmem:$0x1550] =	vst v1  }
0x72: {  	[tilespmem:$0x1560] =	vst v1  }
0x73: {  	[tilespmem:$0x1570] =	vst v1  }
0x74: {  	[tilespmem:$0x1580] =	vst v1  }
0x75: {  	[tilespmem:$0x1590] =	vst v1  }
0x76: {  	[tilespmem:$0x15A0] =	vst v1  }
0x77: {  	[tilespmem:$0x15B0] =	vst v1  }
0x78: {  	[tilespmem:$0x15C0] =	vst v1  }
0x79: {  	[tilespmem:$0x15D0] =	vst v1  }
0x7a: {  	[tilespmem:$0x15E0] =	vst v1  }
0x7b: {  	[tilespmem:$0x15F0] =	vst v1  }
0x7c: {  	[tilespmem:$0x1600] =	vst v1  }
0x7d: {  	[tilespmem:$0x1610] =	vst v1  }
0x7e: {  	[tilespmem:$0x1620] =	vst v1  }
0x7f: {  	[tilespmem:$0x1630] =	vst v1  }
0x80: {  	[tilespmem:$0x1640] =	vst v1  }
0x81: {  	[tilespmem:$0x1650] =	vst v1  }
0x82: {  	[tilespmem:$0x1660] =	vst v1  }
0x83: {  	[tilespmem:$0x1670] =	vst v1  }
0x84: {  	[tilespmem:$0x1680] =	vst v1  }
0x85: {  	[tilespmem:$0x1690] =	vst v1  }
0x86: {  	[tilespmem:$0x16A0] =	vst v1  }
0x87: {  	[tilespmem:$0x16B0] =	vst v1  }
0x88: {  	[tilespmem:$0x16C0] =	vst v1  }
0x89: {  	[tilespmem:$0x16D0] =	vst v1  }
0x8a: {  	[tilespmem:$0x16E0] =	vst v1  }
0x8b: {  	[tilespmem:$0x16F0] =	vst v1  }
0x8c: {  	[spmem:s6] =	stream.linear.scatter [tilespmem:s11], [sflag:$0x1], $0x280, $0x38;
	[tilespmem:$0x1980] =	vst v63  }
0x8d: {  	_ =	swait.ge [sflag:s12], $0x280  }
0x8e: {  	[sflag:s12] =	ssyncset.done $0x0  }
0x8f: {  	s16 =	simm.s32 $0x0;
	[sflag:s12] =	ssyncadd.s32 $0xFFFFFD80  }
0x90: {  	[tilespmem:s16], [sflag:$0x1] =	stream.linear.gather [hbm4b:s7+s16], $0x1400, $0x38;
	[tilespmem:$0x1980] =	vst v63  }
0x91: {  	_ =	swait.ge [sflag:s12], $0x1400  }
0x92: {  	[sflag:s12] =	ssyncset.done $0x0  }
0x93: {  	[sflag:s12] =	ssyncadd.s32 $0xFFFFEC00  }
0x94: {  	s31 =	simm.s32 $0x0;
	[bflag:$0x0] =	sbarrier.arrive $0xFFFF  }
0x95: {  	[spmem:s2] =	stream.indirect.scatter.add.f32 [tilespmem:s14], [sflag:$0x1], $0x1, s31, s13, $0xb8;
	[tilespmem:$0x1980] =	vst v63  }
0x96: {  	_ =	swait.ge [sflag:s12], $0x80  }
0x97: {  	s16 =	simm.s32 $0x200;
	[sflag:s12] =	ssyncset.done $0x0  }
.LBB2_3:
0x98: {  	s17 =	sshra.s32 s16, $0x2;
	[sflag:s12] =	ssyncadd.s32 $0xFFFFFF80;
	p1 =	seq.s32 s16, $0x4E00  }
0x99: {  	[spmem:s2] =	stream.indirect.scatter.add.f32 [tilespmem:s14], [sflag:$0x1], $0x1, s17, s13, $0xb8;
	[tilespmem:$0x1980] =	vst v63  }
.Ltmp5:
0x9a: {  	_ = 	snop;
	(pc) =	sbr.rel @!p1 .LBB2_3-.Ltmp5, $4  }
0x9b: {  	_ = 	snop  }
0x9c: {  	s16 =	sadd.s32 $0x200, s16  }
0x9d: {  	_ =	swait.ge [sflag:s12], $0x80  }
0x9e: {  	[sflag:s12] =	ssyncset.done $0x0  }
.Ltmp6:
0x9f: {  	(pc) =	sbr.rel .LBB2_8-.Ltmp6, $2  }
0xa0: {  	_ =	sdelay $0x2  }
0xa1: {  	[sflag:s12] =	ssyncadd.s32 $0xFFFFFF80;
	s16 =	smov.u32 s4  }
.LBB2_9:
0xa2: {  	_ =	sfence.sel $0x180000  }
0xa3: {  	[bflag:$0x0] =	sbarrier.arrive $0xFFFF  }
0xa4: {  	p0 =	sne.s32 s1, $0x0;
	_ =	strace $0x90000047  }
0xa5: {  	s0 =	sadd.s32 @!p0 $0x100000, s0;
	[bflag:$0x2] =	sbarrier.arrive $0xFFFF  }
0xa6: {  	[sflag:s0] =	ssyncadd.tile.s32 @!p0 $0x1;
	_ =	shalt  }
.Lfunc_end2:
_tile_overlayer_lowered:
.L_overlay_start_2:
0xa7: {  	(tag) =	ssettag $0x2  }
0xa8: {  	s0 =	rddreg [dreg:$0x0];
	s2 =	stileid.u32  }
0xa9: {  	s1 =	rddreg [dreg:$0x1];
	p0 =	sne.s32 s2, $0x0  }
0xaa: {  	s3 =	rddreg [dreg:$0x2];
	[bflag:$0x3] =	sbarrier.arrive $0xFFFF;
	s2 =	simm.s32 @!p0 $0x1C01  }
0xab: {  	[timem:s3], [sflag:s2] =	dma.local @!p0 [hbm:s0], s1  }
0xac: {  	s0 =	simm.s32 @!p0 $0x1  }
0xad: {  	_ =	swait.ge @!p0 [sflag:s0], s1  }
0xae: {  	s1 =	ssub.s32 @!p0 $0x0, s1;
	[sflag:s0] =	ssyncset.done @!p0 $0x0  }
0xaf: {  	[sflag:s0] =	ssyncadd.s32 @!p0 s1  }
0xb0: {  	[bflag:$0x3] =	sbarrier.arrive $0xFFFF  }
0xb1: {  	_ =	shalt  }

// kernel: kernel.9.cloned.1.call-start
scs
__scs_entry_jumppad:
0x0: {  	(pc) =	sbr.rel $0x88, $3  }
0x1: {  	(tag) =	ssettag $0x0;
	lr =	simm.s32 $0x1  }
0x2: {  	[smem:$0x3F99] =	sst lr;
	_ =	strace $0xD0000000  }
0x3: {  	_ = 	snop  }
0x4: {  	_ = 	snop  }
0x5: {  	_ = 	snop  }
0x6: {  	_ = 	snop  }
0x7: {  	_ = 	snop  }
__scs_overlays_trampoline_lowered:
0x8: {  	[smem:$0x3FA8] =	sst s0  }
0x9: {  	[smem:$0x3FA9] =	sst s1  }
0xa: {  	[smem:$0x3FAA] =	sst s2  }
0xb: {  	[smem:$0x3FAB] =	sst s3  }
0xc: {  	[smem:$0x3FAC] =	sst s4  }
0xd: {  	[smem:$0x3FAD] =	sst s5  }
0xe: {  	[smem:$0x3FAE] =	sst s6  }
0xf: {  	[smem:$0x3FAF] =	sst s7  }
0x10: {  	[smem:$0x3FB0] =	sst s8  }
0x11: {  	[smem:$0x3FB1] =	sst s9;
	s0 =	simm.s32 @!p0 $0x0  }
0x12: {  	s1 =	sld [smem:$0x3F97];
	s0 =	simm.s32 @p0 $0x1  }
0x13: {  	[smem:$0x3FB2] =	sst s0;
	s0 =	simm.s32 @!p1 $0x0  }
0x14: {  	s2 =	sld [smem:$0x3F96];
	s0 =	simm.s32 @p1 $0x1  }
0x15: {  	[smem:$0x3FB3] =	sst s0;
	s0 =	simm.s32 @!p2 $0x0  }
0x16: {  	s3 =	sld [smem:$0x3FDB];
	s0 =	simm.s32 @p2 $0x1  }
0x17: {  	s4 =	simm.s32 $0x1BF5;
	[smem:$0x3FB5] =	sst s0  }
0x18: {  	s0 =	sld [smem:$0x3F98];
	_ =	swait.ge [sflag:s4], $0x0  }
0x19: {  	s7 =	sld [smem:$0x3F99]  }
0x1a: {  	s8 =	sadd.s32 $0xFFFFE003, lr  }
0x1b: {  	s9 =	sadd.s32 $0xFFFFFEF7, lr;
	s5 =	simm.s32 $0xFFFFFFFF;
	p2 =	slt.u32 s8, $0xFFFFF086  }
0x1c: {  	p1 =	slt.u32 s9, $0xF7A;
	s5 =	simm.s32 @!p2 $0x0  }
0x1d: {  	s5 =	simm.s32 @p1 $0x1;
	p0 =	seq.s32 s7, s2  }
0x1e: {  	s7 =	smul.u32 @!p0 $0xF7A, s2;
	p2 =	seq.s32 @!p0 s5, $0x0  }
0x1f: {  	s9 =	smul.u32 $0xF7A, s1;
	s8 =	simm.s32 @!p0 $0x1BF5;
	p2 =	por !p2, p0  }
0x20: {  	[sflag:s8] =	ssyncset.s32 @!p0 $0xFFFFF086;
	s6 =	sadd.s32 @!p0 s3, s7;
	s7 =	simm.s32 @!p0 $0x108  }
0x21: {  	s3 =	sadd.s32 s3, s9;
	s6 =	sadd.s32 @!p0 $0x88, s6;
	s7 =	simm.s32 @p2 $0x1082  }
0x22: {  	[simem:s7], [sflag:s8] =	dma.local @!p0 [hbm:s6], $0xF7A  }
0x23: {  	s9 =	sor.u32 $0xD0000000, s2;
	s6 =	simm.s32 $0x108;
	_ =	swait.ge @!p0 [sflag:s8], $0x0  }
0x24: {  	s3 =	sadd.s32 $0x88, s3;
	s6 =	simm.s32 @!p1 $0x1082;
	[sflag:s4] =	ssyncset.s32 $0xFFFFF086  }
0x25: {  	[simem:s6], [sflag:s4] =	dma.local [hbm:s3], $0xF7A  }
0x26: {  	[smem:$0x3F99] =	sst s1;
	(tag) =	ssettag s2;
	_ =	strace s9  }
0x27: {  	s1 =	sld [smem:$0x3FA9]  }
0x28: {  	s2 =	sld [smem:$0x3FAA]  }
0x29: {  	s4 =	sld [smem:$0x3FAC]  }
0x2a: {  	p0 =	seq.s32 s5, $0x0;
	s5 =	sld [smem:$0x3FAD]  }
0x2b: {  	s6 =	sld [smem:$0x3FAE]  }
0x2c: {  	s7 =	sld [smem:$0x3FAF]  }
0x2d: {  	s3 =	simm.s32 $0x108;
	s8 =	sld [smem:$0x3FB0]  }
0x2e: {  	s3 =	simm.s32 @!p0 $0x1082;
	s9 =	sld [smem:$0x3FB1]  }
0x2f: {  	lr =	sadd.s32 s0, s3;
	s0 =	sld [smem:$0x3FA8]  }
0x30: {  	s3 =	sld [smem:$0x3FAB]  }
0x31: {  	[smem:$0x3FB4] =	sst s10  }
0x32: {  	s10 =	sld [smem:$0x3FB2];
	_ =	sdelay $0x3  }
0x33: {  	p0 =	seq.s32 s10, $0x1;
	s10 =	sld [smem:$0x3FB4];
	_ =	sdelay $0x3  }
0x34: {  	[smem:$0x3FB4] =	sst s10  }
0x35: {  	s10 =	sld [smem:$0x3FB3];
	_ =	sdelay $0x3  }
0x36: {  	p1 =	seq.s32 s10, $0x1;
	s10 =	sld [smem:$0x3FB4];
	_ =	sdelay $0x3  }
0x37: {  	[smem:$0x3FB4] =	sst s10  }
0x38: {  	s10 =	sld [smem:$0x3FB5]  }
0x39: {  	_ = 	snop;
	(pc) =	sbr.ind lr, $3  }
0x3a: {  	_ = 	snop  }
0x3b: {  	_ = 	snop  }
0x3c: {  	p2 =	seq.s32 s10, $0x1;
	s10 =	sld [smem:$0x3FB4]  }
0x3d: {  	_ =	shalt  }
0x3e: {  	_ =	shalt  }
0x3f: {  	_ =	shalt  }
0x40: {  	_ =	shalt  }
0x41: {  	_ =	shalt  }
0x42: {  	_ =	shalt  }
0x43: {  	_ =	shalt  }
0x44: {  	_ =	shalt  }
0x45: {  	_ =	shalt  }
0x46: {  	_ =	shalt  }
0x47: {  	_ =	shalt  }
0x48: {  	_ =	shalt  }
0x49: {  	_ =	shalt  }
0x4a: {  	_ =	shalt  }
0x4b: {  	_ =	shalt  }
0x4c: {  	_ =	shalt  }
0x4d: {  	_ =	shalt  }
0x4e: {  	_ =	shalt  }
0x4f: {  	_ =	shalt  }
0x50: {  	_ =	shalt  }
0x51: {  	_ =	shalt  }
0x52: {  	_ =	shalt  }
0x53: {  	_ =	shalt  }
0x54: {  	_ =	shalt  }
0x55: {  	_ =	shalt  }
0x56: {  	_ =	shalt  }
0x57: {  	_ =	shalt  }
0x58: {  	_ =	shalt  }
0x59: {  	_ =	shalt  }
0x5a: {  	_ =	shalt  }
0x5b: {  	_ =	shalt  }
0x5c: {  	_ =	shalt  }
0x5d: {  	_ =	shalt  }
0x5e: {  	_ =	shalt  }
0x5f: {  	_ =	shalt  }
0x60: {  	_ =	shalt  }
0x61: {  	_ =	shalt  }
0x62: {  	_ =	shalt  }
0x63: {  	_ =	shalt  }
0x64: {  	_ =	shalt  }
0x65: {  	_ =	shalt  }
0x66: {  	_ =	shalt  }
0x67: {  	_ =	shalt  }
0x68: {  	_ =	shalt  }
0x69: {  	_ =	shalt  }
0x6a: {  	_ =	shalt  }
0x6b: {  	_ =	shalt  }
0x6c: {  	_ =	shalt  }
0x6d: {  	_ =	shalt  }
0x6e: {  	_ =	shalt  }
0x6f: {  	_ =	shalt  }
0x70: {  	_ =	shalt  }
0x71: {  	_ =	shalt  }
0x72: {  	_ =	shalt  }
0x73: {  	_ =	shalt  }
0x74: {  	_ =	shalt  }
0x75: {  	_ =	shalt  }
0x76: {  	_ =	shalt  }
0x77: {  	_ =	shalt  }
0x78: {  	_ =	shalt  }
0x79: {  	_ =	shalt  }
0x7a: {  	_ =	shalt  }
0x7b: {  	_ =	shalt  }
0x7c: {  	_ =	shalt  }
0x7d: {  	_ =	shalt  }
0x7e: {  	_ =	shalt  }
0x7f: {  	_ =	shalt  }
0x80: {  	_ =	shalt  }
0x81: {  	_ =	shalt  }
0x82: {  	_ =	shalt  }
0x83: {  	_ =	shalt  }
0x84: {  	_ =	shalt  }
0x85: {  	_ =	shalt  }
0x86: {  	_ =	shalt  }
0x87: {  	_ =	shalt  }
.Lfunc_end0:
.L_simem_size_0:
called_computation.1_lowered:
.L_overlay_start_0:
0x88: {  	s2 =	sld [smem:$0x3FD9]  }
0x89: {  	s3 =	sld [smem:$0x3FFE];
	_ =	sdelay $0x1  }
0x8a: {  	s1 =	srdreg.scid  }
0x8b: {  	s0 =	sand.u32 $0x1, s1  }
0x8c: {  	s17 =	sshll.u32 s0, $0xA;
	s2 =	sadd.s32 s3, s2  }
0x8d: {  	s2 =	sadd.s32 s2, s17  }
0x8e: {  	[smem:$0x3FC0] =	sst s2  }
0x8f: {  	_ = 	snop  }
0x90: {  	s2 =	sld [smem:$0x3FD0];
	(tm) =	ssettm $0x1  }
0x91: {  	s18 =	sld [smem:$0x3FFB];
	_ =	sdelay $0x3  }
0x92: {  	_ =	strace s18  }
0x93: {  	s3 =	sld [smem:$0x3FFC];
	_ =	sdelay $0x3  }
0x94: {  	_ =	strace s3  }
0x95: {  	s3 =	sld [smem:$0x3FFD];
	_ =	sdelay $0x3  }
0x96: {  	_ =	strace s3  }
0x97: {  	_ =	strace $0x8FFFFFFF  }
0x98: {  	s19 =	sld [smem:$0x3FDB];
	_ =	sdelay $0x1  }
0x99: {  	s4 =	simm.s32 $_scs_section_size  }
0x9a: {  	s5 =	simm.s32 $_size__tile_overlayer_lowered;
	s6 =	simm.s32 $_tile_overlayer_lowered  }
0x9b: {  	s22 =	simm.s32 $0x1BFF;
	s21 =	sshll.u32 s6, $0x1;
	s3 =	sadd.s32 s4, s19  }
0x9c: {  	s7 =	simm.s32 $0x0;
	s20 =	sshll.u32 s5, $0x1;
	s5 =	sadd.s32 s21, s3  }
0x9d: {  	[timem:s7], [sflag:s22] =	dma.local [hbm:s5], s20  }
0x9e: {  	_ =	swait.ge [sflag:s22], s20  }
0x9f: {  	s4 =	ssub.s32 $0x0, s20;
	[sflag:s22] =	ssyncset.done $0x0  }
0xa0: {  	[sflag:s22] =	ssyncadd.s32 s4;
	_ =	sdelay $0x1  }
0xa1: {  	s23 =	simm.s32 $0x1B8B  }
0xa2: {  	_ =	swait.ge [sflag:s23], $0x1  }
0xa3: {  	[sflag:s23] =	ssyncset.done $0x0  }
0xa4: {  	s25 =	simm.s32 $0x1B8E;
	s24 =	sld [smem:$0x3FFE];
	[sflag:s23] =	ssyncadd.s32 $0xFFFFFFFF  }
0xa5: {  	s26 =	simm.s32 $execute0_lowered;
	[smem:$0x3FD2] =	sst s25  }
0xa6: {  	s5 =	sshll.u32 s26, $0x1;
	_ =	strace $0x80000049;
	[dreg:$0x1] =	wrdreg $0xFFFFFFFF  }
0xa7: {  	s28 =	simm.s32 $_size_execute0_lowered;
	s3 =	sadd.s32 s3, s5;
	[dreg:$0x0] =	wrdreg $0x0  }
0xa8: {  	s5 =	sshll.u32 s28, $0x1;
	[dreg:$0x2] =	wrdreg s3  }
0xa9: {  	[dreg:$0x3] =	wrdreg s5  }
0xaa: {  	[dreg:$0x4] =	wrdreg $0xC0  }
0xab: {  	_ =	task [dreg:s7], $0x5FFFF  }
0xac: {  	[dreg:$0x1] =	wrdreg $0xFFFFFFFF  }
0xad: {  	[dreg:$0x0] =	wrdreg $0x60  }
0xae: {  	[dreg:$0x2] =	wrdreg s24  }
0xaf: {  	[dreg:$0x3] =	wrdreg s2  }
0xb0: {  	[dreg:$0x4] =	wrdreg $0xA8000  }
0xb1: {  	[dreg:$0x5] =	wrdreg $0x9  }
0xb2: {  	_ =	task.clear_ibuf [dreg:s7], $0x6FFFF;
	_ =	strace $0x90000049  }
0xb3: {  	s29 =	simm.s32 $0x9;
	_ =	strace $0x8000004B  }
0xb4: {  	_ =	swait.ge [sflag:s29], $0x1  }
0xb5: {  	[sflag:s29] =	ssyncadd.s32 $0xFFFFFFFF  }
0xb6: {  	_ =	strace $0x9000004B  }
0xb7: {  	_ =	sfence  }
0xb8: {  	s30 =	sld [smem:$0x0];
	_ =	sdelay $0x2  }
0xb9: {  	s31 =	sshll.u32 s1, $0xD;
	s1 =	sshrl.u32 s1, $0x2  }
0xba: {  	s3 =	sand.u32 $0x4000, s31;
	s1 =	sadd.s32 s1, s30  }
0xbb: {  	s0 =	sor.u32 s3, s0;
	s1 =	sshll.u32 s1, $0x11  }
0xbc: {  	s0 =	sor.u32 s1, s0  }
0xbd: {  	s0 =	sadd.s32 $0x8F2B, s0  }
0xbe: {  	[sflag:s0] =	ssyncadd.remote.s32 $0x1  }
0xbf: {  	_ =	sfence.sel $0xFFFF  }
0xc0: {  	[dreg:$0x0] =	wrdreg $0xFFFFFFFF;
	(pc) =	sbr.abs _section_cstart, $3  }
0xc1: {  	[dreg:$0x1] =	wrdreg $0xFFFFFFFF  }
0xc2: {  	_ =	task.clear_ibuf [dreg:s7], $0x2FFFF;
	_ =	strace $0x9FFFFFFF  }
0xc3: {  	(tm) =	ssettm $0x7FFFFFFF  }
tec
execute0_lowered:
.L_overlay_start_1:
0x0: {  	(tag) =	ssettag $0x1  }
0x1: {  	s7 =	rddreg [dreg:$0x0]  }
0x2: {  	s1 =	rddreg [dreg:$0x1]  }
0x3: {  	s2 =	rddreg [dreg:$0x2];
	s3 =	simm.s32 $0x0;
	s4 =	srdreg.scid  }
0x4: {  	s19 =	simm.s32 $0x3;
	s20 =	simm.s32 $0x1400;
	s21 =	simm.s32 $0x80  }
0x5: {  	s22 =	simm.s32 $0x2800;
	s23 =	simm.s32 $0x6800;
	s24 =	simm.s32 $0x1  }
0x6: {  	s25 =	simm.s32 $0x2;
	s26 =	simm.s32 $0x2700;
	s28 =	simm.s32 $0x2780  }
0x7: {  	[smem:$0x7FF] =	sst s3;
	s14 =	sadd.s32 $0x7200, s7;
	s16 =	sadd.s32 $0x2200, s7  }
0x8: {  	s9 =	sand.u32 $0x1, s4;
	s5 =	sadd.s32 $0x5CE00, s7;
	s4 =	stileid.u32  }
0x9: {  	s6 =	sadd.s32 $0x84E00, s7;
	s7 =	sadd.s32 $0xACE00, s7;
	_ =	strace $0x8000004A  }
0xa: {  	s8 =	ssub.s32 $0x2, s9;
	s11 =	smul.u32 $0x50000, s4;
	p0 =	seq.s32 s9, $0x1  }
0xb: {  	s13 =	smul.u32 $0x500, s4;
	s15 =	sshll.u32 s4, $0x6;
	s10 =	sshrl.u32 s8, $0x1  }
.Ltmp0:
0xc: {  	s12 =	ssub.s32 s8, s10;
	s31 =	sshrl.u32 s11, $0x2;
	(pc) =	sbr.rel .LBB2_1-.Ltmp0, $4  }
0xd: {  	s8 =	smul.u32 $0x2800, s4;
	s17 =	sadd.s32 $0x280, s13;
	s18 =	sadd.s32 s31, s2  }
0xe: {  	s11 =	smax.u32 s12, $0x1;
	s12 =	sadd.s32 s14, s13;
	s13 =	sadd.s32 s16, s13  }
0xf: {  	s14 =	sadd.s32 s14, s17;
	s16 =	sadd.s32 s16, s17;
	s17 =	sor.u32 $0x1C03, s15  }
0x10: {  	s9 =	sadd.s32 s1, s8;
	s10 =	sadd.s32 s5, s8;
	s18 =	sshrl.u32 s18, $0x3  }
.LBB2_11:
0x11: {  	[tilespmem:s23], [sflag:$0x2] =	stream.indirect.gather [hbm4b:s5+s21], $0x80, s30, s21, $0xb8;
	[tilespmem:$0x1E800] =	vst v63  }
0x12: {  	_ =	swait.ge [sflag:s24], $0x4000  }
0x13: {  	[sflag:s24] =	ssyncset.done $0x0  }
0x14: {  	[sflag:s24] =	ssyncadd.s32 $0xFFFFC000  }
0x15: {  	[spmem:s2] =	stream.indirect.scatter.add.f32 [tilespmem:s22], [sflag:$0x3], $0x80, s26, s21, $0xb8;
	[tilespmem:$0x1E800] =	vst v63  }
0x16: {  	_ =	swait.ge [sflag:s19], $0x4000  }
0x17: {  	[sflag:s19] =	ssyncset.done $0x0  }
0x18: {  	[sflag:s19] =	ssyncadd.s32 $0xFFFFC000  }
0x19: {  	_ =	swait.ge [sflag:s25], $0x4000  }
0x1a: {  	[sflag:s25] =	ssyncset.done $0x0  }
0x1b: {  	[sflag:s25] =	ssyncadd.s32 $0xFFFFC000  }
0x1c: {  	[spmem:s2] =	stream.indirect.scatter.add.f32 [tilespmem:s23], [sflag:$0x3], $0x80, s28, s21, $0xb8;
	[tilespmem:$0x1E800] =	vst v63  }
0x1d: {  	_ =	swait.ge [sflag:s19], $0x4000  }
0x1e: {  	[sflag:s19] =	ssyncset.done $0x0  }
0x1f: {  	s30 =	smov.u32 s7;
	s29 =	smov.u32 s17;
	[sflag:s19] =	ssyncadd.s32 $0xFFFFC000  }
.LBB2_12:
0x20: {  	s3 =	sadd.s32 $0x1, s3  }
0x21: {  	p1 =	sne.s32 s3, s11  }
.Ltmp1:
0x22: {  	s0 =	sadd.s32 s30, s8;
	[bflag:$0x0] =	sbarrier.arrive $0xFFFF;
	(pc) =	sbr.rel @!p1 .LBB2_13-.Ltmp1, $4  }
0x23: {  	[hbm:s0], [sflag:s29] =	dma.local [spmem:s18], $0x2800  }
0x24: {  	_ =	swait.ge [sflag:s19], $0x2800  }
0x25: {  	[sflag:s19] =	ssyncset.done $0x0  }
0x26: {  	[sflag:s19] =	ssyncadd.s32 $0xFFFFD800  }
.LBB2_1:
.Ltmp2:
0x27: {  	(pc) =	sbr.rel @!p0 .LBB2_2-.Ltmp2, $1  }
0x28: {  	_ =	sdelay $0x3  }
0x29: {  	[spmem:s18], [sflag:s17] =	dma.local [hbm:s10], $0x2800  }
0x2a: {  	_ =	swait.ge [sflag:s19], $0x2800  }
0x2b: {  	[sflag:s19] =	ssyncset.done $0x0  }
0x2c: {  	[sflag:s19] =	ssyncadd.s32 $0xFFFFD800  }
0x2d: {  	s0 =	simm.s32 $0x0;
	[bflag:$0x0] =	sbarrier.arrive $0xFFFF  }
0x2e: {  	[tilespmem:s0], [sflag:$0x3] =	stream.linear.gather [hbm4b:s12+s0], $0x1400, $0x38;
	[tilespmem:$0x1E800] =	vst v63  }
0x2f: {  	_ =	swait.ge [sflag:s19], $0x1400  }
0x30: {  	[sflag:s19] =	ssyncset.done $0x0  }
0x31: {  	[sflag:s19] =	ssyncadd.s32 $0xFFFFEC00  }
0x32: {  	[tilespmem:s20], [sflag:$0x3] =	stream.linear.gather [hbm4b:s13+s0], $0x1400, $0x38;
	[tilespmem:$0x1E800] =	vst v63  }
0x33: {  	_ =	swait.ge [sflag:s19], $0x1400  }
0x34: {  	[sflag:s19] =	ssyncset.done $0x0  }
0x35: {  	[sflag:s19] =	ssyncadd.s32 $0xFFFFEC00  }
0x36: {  	[tilespmem:s22], [sflag:$0x1] =	stream.indirect.gather [hbm4b:s5+s21], $0x80, s0, s21, $0xb8;
	[tilespmem:$0x1E800] =	vst v63  }
0x37: {  	_ = 	snop  }
0x38: {  	[tilespmem:s23], [sflag:$0x2] =	stream.indirect.gather [hbm4b:s5+s21], $0x80, s21, s21, $0xb8;
	[tilespmem:$0x1E800] =	vst v63  }
0x39: {  	_ =	swait.ge [sflag:s24], $0x4000  }
0x3a: {  	[sflag:s24] =	ssyncset.done $0x0  }
0x3b: {  	s31 =	simm.s32 $0x1400;
	[sflag:s24] =	ssyncadd.s32 $0xFFFFC000  }
0x3c: {  	[spmem:s2] =	stream.indirect.scatter.add.f32 [tilespmem:s22], [sflag:$0x3], $0x80, s31, s21, $0xb8;
	[tilespmem:$0x1E800] =	vst v63  }
0x3d: {  	_ =	swait.ge [sflag:s19], $0x4000  }
0x3e: {  	[sflag:s19] =	ssyncset.done $0x0  }
0x3f: {  	s31 =	simm.s32 $0x100;
	[sflag:s19] =	ssyncadd.s32 $0xFFFFC000  }
0x40: {  	[tilespmem:s22], [sflag:$0x1] =	stream.indirect.gather [hbm4b:s5+s21], $0x80, s31, s21, $0xb8;
	[tilespmem:$0x1E800] =	vst v63  }
0x41: {  	_ =	swait.ge [sflag:s25], $0x4000  }
0x42: {  	[sflag:s25] =	ssyncset.done $0x0  }
0x43: {  	s31 =	simm.s32 $0x1480;
	[sflag:s25] =	ssyncadd.s32 $0xFFFFC000  }
0x44: {  	[spmem:s2] =	stream.indirect.scatter.add.f32 [tilespmem:s23], [sflag:$0x3], $0x80, s31, s21, $0xb8;
	[tilespmem:$0x1E800] =	vst v63  }
0x45: {  	_ =	swait.ge [sflag:s19], $0x4000  }
0x46: {  	[sflag:s19] =	ssyncset.done $0x0  }
0x47: {  	s29 =	simm.s32 $0x400;
	s30 =	simm.s32 $0x180;
	[sflag:s19] =	ssyncadd.s32 $0xFFFFC000  }
.LBB2_8:
0x48: {  	[tilespmem:s23], [sflag:$0x2] =	stream.indirect.gather [hbm4b:s5+s21], $0x80, s30, s21, $0xb8;
	[tilespmem:$0x1E800] =	vst v63  }
0x49: {  	s0 =	smov.u32 s29  }
0x4a: {  	p1 =	sne.s32 s29, $0x4800;
	s29 =	sadd.s32 $0x400, s29;
	_ =	swait.ge [sflag:s24], $0x4000  }
0x4b: {  	s0 =	sshra.s32 s0, $0x2;
	[sflag:s24] =	ssyncset.done $0x0  }
0x4c: {  	s30 =	sadd.s32 $0x1400, s0;
	[sflag:s24] =	ssyncadd.s32 $0xFFFFC000  }
0x4d: {  	[spmem:s2] =	stream.indirect.scatter.add.f32 [tilespmem:s22], [sflag:$0x3], $0x80, s30, s21, $0xb8;
	[tilespmem:$0x1E800] =	vst v63  }
0x4e: {  	_ =	swait.ge [sflag:s19], $0x4000  }
0x4f: {  	[sflag:s19] =	ssyncset.done $0x0  }
0x50: {  	s30 =	sadd.s32 $0x100, s0;
	[sflag:s19] =	ssyncadd.s32 $0xFFFFC000  }
0x51: {  	[tilespmem:s22], [sflag:$0x1] =	stream.indirect.gather [hbm4b:s5+s21], $0x80, s30, s21, $0xb8;
	[tilespmem:$0x1E800] =	vst v63  }
0x52: {  	_ =	swait.ge [sflag:s25], $0x4000  }
0x53: {  	[sflag:s25] =	ssyncset.done $0x0  }
.Ltmp3:
0x54: {  	s30 =	sadd.s32 $0x1480, s0;
	[sflag:s25] =	ssyncadd.s32 $0xFFFFC000;
	(pc) =	sbr.rel @p1 .LBB2_8-.Ltmp3, $4  }
0x55: {  	[spmem:s2] =	stream.indirect.scatter.add.f32 [tilespmem:s23], [sflag:$0x3], $0x80, s30, s21, $0xb8;
	[tilespmem:$0x1E800] =	vst v63  }
0x56: {  	_ =	swait.ge [sflag:s19], $0x4000  }
0x57: {  	[sflag:s19] =	ssyncset.done $0x0  }
0x58: {  	s30 =	sadd.s32 $0x180, s0;
	[sflag:s19] =	ssyncadd.s32 $0xFFFFC000  }
0x59: {  	[tilespmem:s23], [sflag:$0x2] =	stream.indirect.gather [hbm4b:s5+s21], $0x80, s30, s21, $0xb8;
	[tilespmem:$0x1E800] =	vst v63  }
0x5a: {  	_ =	swait.ge [sflag:s24], $0x4000  }
0x5b: {  	[sflag:s24] =	ssyncset.done $0x0  }
0x5c: {  	[sflag:s24] =	ssyncadd.s32 $0xFFFFC000  }
0x5d: {  	[spmem:s2] =	stream.indirect.scatter.add.f32 [tilespmem:s22], [sflag:$0x3], $0x80, s26, s21, $0xb8;
	[tilespmem:$0x1E800] =	vst v63  }
0x5e: {  	_ =	swait.ge [sflag:s19], $0x4000  }
0x5f: {  	[sflag:s19] =	ssyncset.done $0x0  }
0x60: {  	[sflag:s19] =	ssyncadd.s32 $0xFFFFC000  }
0x61: {  	_ =	swait.ge [sflag:s25], $0x4000  }
0x62: {  	[sflag:s25] =	ssyncset.done $0x0  }
0x63: {  	[sflag:s25] =	ssyncadd.s32 $0xFFFFC000  }
0x64: {  	[spmem:s2] =	stream.indirect.scatter.add.f32 [tilespmem:s23], [sflag:$0x3], $0x80, s28, s21, $0xb8;
	[tilespmem:$0x1E800] =	vst v63  }
0x65: {  	_ =	swait.ge [sflag:s19], $0x4000  }
0x66: {  	[sflag:s19] =	ssyncset.done $0x0  }
0x67: {  	s0 =	simm.s32 $0x0;
	[sflag:s19] =	ssyncadd.s32 $0xFFFFC000  }
0x68: {  	[tilespmem:s0], [sflag:$0x3] =	stream.linear.gather [hbm4b:s14+s0], $0x1400, $0x38;
	[tilespmem:$0x1E800] =	vst v63  }
0x69: {  	_ =	swait.ge [sflag:s19], $0x1400  }
0x6a: {  	[sflag:s19] =	ssyncset.done $0x0  }
0x6b: {  	[sflag:s19] =	ssyncadd.s32 $0xFFFFEC00  }
0x6c: {  	[tilespmem:s20], [sflag:$0x3] =	stream.linear.gather [hbm4b:s16+s0], $0x1400, $0x38;
	[tilespmem:$0x1E800] =	vst v63  }
0x6d: {  	_ =	swait.ge [sflag:s19], $0x1400  }
0x6e: {  	[sflag:s19] =	ssyncset.done $0x0  }
0x6f: {  	[sflag:s19] =	ssyncadd.s32 $0xFFFFEC00  }
0x70: {  	[tilespmem:s22], [sflag:$0x1] =	stream.indirect.gather [hbm4b:s5+s21], $0x80, s0, s21, $0xb8;
	[tilespmem:$0x1E800] =	vst v63  }
0x71: {  	_ = 	snop  }
0x72: {  	[tilespmem:s23], [sflag:$0x2] =	stream.indirect.gather [hbm4b:s5+s21], $0x80, s21, s21, $0xb8;
	[tilespmem:$0x1E800] =	vst v63  }
0x73: {  	_ =	swait.ge [sflag:s24], $0x4000  }
0x74: {  	[sflag:s24] =	ssyncset.done $0x0  }
0x75: {  	s31 =	simm.s32 $0x1400;
	[sflag:s24] =	ssyncadd.s32 $0xFFFFC000  }
0x76: {  	[spmem:s2] =	stream.indirect.scatter.add.f32 [tilespmem:s22], [sflag:$0x3], $0x80, s31, s21, $0xb8;
	[tilespmem:$0x1E800] =	vst v63  }
0x77: {  	_ =	swait.ge [sflag:s19], $0x4000  }
0x78: {  	[sflag:s19] =	ssyncset.done $0x0  }
0x79: {  	s31 =	simm.s32 $0x100;
	[sflag:s19] =	ssyncadd.s32 $0xFFFFC000  }
0x7a: {  	[tilespmem:s22], [sflag:$0x1] =	stream.indirect.gather [hbm4b:s5+s21], $0x80, s31, s21, $0xb8;
	[tilespmem:$0x1E800] =	vst v63  }
0x7b: {  	_ =	swait.ge [sflag:s25], $0x4000  }
0x7c: {  	[sflag:s25] =	ssyncset.done $0x0  }
0x7d: {  	s31 =	simm.s32 $0x1480;
	[sflag:s25] =	ssyncadd.s32 $0xFFFFC000  }
0x7e: {  	[spmem:s2] =	stream.indirect.scatter.add.f32 [tilespmem:s23], [sflag:$0x3], $0x80, s31, s21, $0xb8;
	[tilespmem:$0x1E800] =	vst v63  }
0x7f: {  	_ =	swait.ge [sflag:s19], $0x4000  }
0x80: {  	[sflag:s19] =	ssyncset.done $0x0  }
0x81: {  	s29 =	simm.s32 $0x400;
	s30 =	simm.s32 $0x180;
	[sflag:s19] =	ssyncadd.s32 $0xFFFFC000  }
.LBB2_10:
0x82: {  	[tilespmem:s23], [sflag:$0x2] =	stream.indirect.gather [hbm4b:s5+s21], $0x80, s30, s21, $0xb8;
	[tilespmem:$0x1E800] =	vst v63  }
0x83: {  	s0 =	smov.u32 s29  }
0x84: {  	p1 =	sne.s32 s29, $0x4800;
	s29 =	sadd.s32 $0x400, s29;
	_ =	swait.ge [sflag:s24], $0x4000  }
0x85: {  	s0 =	sshra.s32 s0, $0x2;
	[sflag:s24] =	ssyncset.done $0x0  }
0x86: {  	s30 =	sadd.s32 $0x1400, s0;
	[sflag:s24] =	ssyncadd.s32 $0xFFFFC000  }
0x87: {  	[spmem:s2] =	stream.indirect.scatter.add.f32 [tilespmem:s22], [sflag:$0x3], $0x80, s30, s21, $0xb8;
	[tilespmem:$0x1E800] =	vst v63  }
0x88: {  	_ =	swait.ge [sflag:s19], $0x4000  }
0x89: {  	[sflag:s19] =	ssyncset.done $0x0  }
0x8a: {  	s30 =	sadd.s32 $0x100, s0;
	[sflag:s19] =	ssyncadd.s32 $0xFFFFC000  }
0x8b: {  	[tilespmem:s22], [sflag:$0x1] =	stream.indirect.gather [hbm4b:s5+s21], $0x80, s30, s21, $0xb8;
	[tilespmem:$0x1E800] =	vst v63  }
0x8c: {  	_ =	swait.ge [sflag:s25], $0x4000  }
0x8d: {  	[sflag:s25] =	ssyncset.done $0x0  }
.Ltmp4:
0x8e: {  	s30 =	sadd.s32 $0x1480, s0;
	[sflag:s25] =	ssyncadd.s32 $0xFFFFC000;
	(pc) =	sbr.rel @p1 .LBB2_10-.Ltmp4, $4  }
0x8f: {  	[spmem:s2] =	stream.indirect.scatter.add.f32 [tilespmem:s23], [sflag:$0x3], $0x80, s30, s21, $0xb8;
	[tilespmem:$0x1E800] =	vst v63  }
0x90: {  	_ =	swait.ge [sflag:s19], $0x4000  }
0x91: {  	[sflag:s19] =	ssyncset.done $0x0  }
0x92: {  	s30 =	sadd.s32 $0x180, s0;
	[sflag:s19] =	ssyncadd.s32 $0xFFFFC000  }
.Ltmp5:
0x93: {  	_ = 	snop;
	(pc) =	sbr.rel .LBB2_11-.Ltmp5, $1  }
0x94: {  	_ =	sdelay $0x3  }
.LBB2_2:
0x95: {  	s29 =	sor.u32 $0x1C03, s15  }
0x96: {  	[spmem:s18], [sflag:s29] =	dma.local [hbm:s9], $0x2800  }
0x97: {  	_ =	swait.ge [sflag:s19], $0x2800  }
0x98: {  	[sflag:s19] =	ssyncset.done $0x0  }
0x99: {  	[sflag:s19] =	ssyncadd.s32 $0xFFFFD800  }
0x9a: {  	s30 =	simm.s32 $0x0;
	[bflag:$0x0] =	sbarrier.arrive $0xFFFF  }
0x9b: {  	[tilespmem:s30], [sflag:$0x3] =	stream.linear.gather [hbm4b:s12+s30], $0x1400, $0x38;
	[tilespmem:$0x1E800] =	vst v63  }
0x9c: {  	_ =	swait.ge [sflag:s19], $0x1400  }
0x9d: {  	[sflag:s19] =	ssyncset.done $0x0  }
0x9e: {  	[sflag:s19] =	ssyncadd.s32 $0xFFFFEC00  }
0x9f: {  	[tilespmem:s20], [sflag:$0x3] =	stream.linear.gather [hbm4b:s13+s30], $0x1400, $0x38;
	[tilespmem:$0x1E800] =	vst v63  }
0xa0: {  	_ =	swait.ge [sflag:s19], $0x1400  }
0xa1: {  	[sflag:s19] =	ssyncset.done $0x0  }
0xa2: {  	[sflag:s19] =	ssyncadd.s32 $0xFFFFEC00  }
0xa3: {  	[tilespmem:s22], [sflag:$0x1] =	stream.indirect.gather [hbm4b:s1+s21], $0x80, s30, s21, $0xb8;
	[tilespmem:$0x1E800] =	vst v63  }
0xa4: {  	_ = 	snop  }
0xa5: {  	[tilespmem:s23], [sflag:$0x2] =	stream.indirect.gather [hbm4b:s1+s21], $0x80, s21, s21, $0xb8;
	[tilespmem:$0x1E800] =	vst v63  }
0xa6: {  	_ =	swait.ge [sflag:s24], $0x4000  }
0xa7: {  	[sflag:s24] =	ssyncset.done $0x0  }
0xa8: {  	s30 =	simm.s32 $0x1400;
	[sflag:s24] =	ssyncadd.s32 $0xFFFFC000  }
0xa9: {  	[spmem:s2] =	stream.indirect.scatter.add.f32 [tilespmem:s22], [sflag:$0x3], $0x80, s30, s21, $0xb8;
	[tilespmem:$0x1E800] =	vst v63  }
0xaa: {  	_ =	swait.ge [sflag:s19], $0x4000  }
0xab: {  	[sflag:s19] =	ssyncset.done $0x0  }
0xac: {  	s30 =	simm.s32 $0x100;
	[sflag:s19] =	ssyncadd.s32 $0xFFFFC000  }
0xad: {  	[tilespmem:s22], [sflag:$0x1] =	stream.indirect.gather [hbm4b:s1+s21], $0x80, s30, s21, $0xb8;
	[tilespmem:$0x1E800] =	vst v63  }
0xae: {  	_ =	swait.ge [sflag:s25], $0x4000  }
0xaf: {  	[sflag:s25] =	ssyncset.done $0x0  }
0xb0: {  	s30 =	simm.s32 $0x1480;
	[sflag:s25] =	ssyncadd.s32 $0xFFFFC000  }
0xb1: {  	[spmem:s2] =	stream.indirect.scatter.add.f32 [tilespmem:s23], [sflag:$0x3], $0x80, s30, s21, $0xb8;
	[tilespmem:$0x1E800] =	vst v63  }
0xb2: {  	_ =	swait.ge [sflag:s19], $0x4000  }
0xb3: {  	[sflag:s19] =	ssyncset.done $0x0  }
0xb4: {  	s31 =	simm.s32 $0x180;
	s30 =	simm.s32 $0x400;
	[sflag:s19] =	ssyncadd.s32 $0xFFFFC000  }
.LBB2_3:
0xb5: {  	[tilespmem:s23], [sflag:$0x2] =	stream.indirect.gather [hbm4b:s1+s21], $0x80, s31, s21, $0xb8;
	[tilespmem:$0x1E800] =	vst v63  }
0xb6: {  	s31 =	smov.u32 s30  }
0xb7: {  	p1 =	sne.s32 s30, $0x4800;
	s30 =	sadd.s32 $0x400, s30;
	_ =	swait.ge [sflag:s24], $0x4000  }
0xb8: {  	s31 =	sshra.s32 s31, $0x2;
	[sflag:s24] =	ssyncset.done $0x0  }
0xb9: {  	s0 =	sadd.s32 $0x1400, s31;
	[sflag:s24] =	ssyncadd.s32 $0xFFFFC000  }
0xba: {  	[spmem:s2] =	stream.indirect.scatter.add.f32 [tilespmem:s22], [sflag:$0x3], $0x80, s0, s21, $0xb8;
	[tilespmem:$0x1E800] =	vst v63  }
0xbb: {  	_ =	swait.ge [sflag:s19], $0x4000  }
0xbc: {  	[sflag:s19] =	ssyncset.done $0x0  }
0xbd: {  	s0 =	sadd.s32 $0x100, s31;
	[sflag:s19] =	ssyncadd.s32 $0xFFFFC000  }
0xbe: {  	[tilespmem:s22], [sflag:$0x1] =	stream.indirect.gather [hbm4b:s1+s21], $0x80, s0, s21, $0xb8;
	[tilespmem:$0x1E800] =	vst v63  }
0xbf: {  	_ =	swait.ge [sflag:s25], $0x4000  }
0xc0: {  	[sflag:s25] =	ssyncset.done $0x0  }
.Ltmp6:
0xc1: {  	s0 =	sadd.s32 $0x1480, s31;
	[sflag:s25] =	ssyncadd.s32 $0xFFFFC000;
	(pc) =	sbr.rel @p1 .LBB2_3-.Ltmp6, $4  }
0xc2: {  	[spmem:s2] =	stream.indirect.scatter.add.f32 [tilespmem:s23], [sflag:$0x3], $0x80, s0, s21, $0xb8;
	[tilespmem:$0x1E800] =	vst v63  }
0xc3: {  	_ =	swait.ge [sflag:s19], $0x4000  }
0xc4: {  	[sflag:s19] =	ssyncset.done $0x0  }
0xc5: {  	s31 =	sadd.s32 $0x180, s31;
	[sflag:s19] =	ssyncadd.s32 $0xFFFFC000  }
0xc6: {  	[tilespmem:s23], [sflag:$0x2] =	stream.indirect.gather [hbm4b:s1+s21], $0x80, s31, s21, $0xb8;
	[tilespmem:$0x1E800] =	vst v63  }
0xc7: {  	_ =	swait.ge [sflag:s24], $0x4000  }
0xc8: {  	[sflag:s24] =	ssyncset.done $0x0  }
0xc9: {  	[sflag:s24] =	ssyncadd.s32 $0xFFFFC000  }
0xca: {  	[spmem:s2] =	stream.indirect.scatter.add.f32 [tilespmem:s22], [sflag:$0x3], $0x80, s26, s21, $0xb8;
	[tilespmem:$0x1E800] =	vst v63  }
0xcb: {  	_ =	swait.ge [sflag:s19], $0x4000  }
0xcc: {  	[sflag:s19] =	ssyncset.done $0x0  }
0xcd: {  	[sflag:s19] =	ssyncadd.s32 $0xFFFFC000  }
0xce: {  	_ =	swait.ge [sflag:s25], $0x4000  }
0xcf: {  	[sflag:s25] =	ssyncset.done $0x0  }
0xd0: {  	[sflag:s25] =	ssyncadd.s32 $0xFFFFC000  }
0xd1: {  	[spmem:s2] =	stream.indirect.scatter.add.f32 [tilespmem:s23], [sflag:$0x3], $0x80, s28, s21, $0xb8;
	[tilespmem:$0x1E800] =	vst v63  }
0xd2: {  	_ =	swait.ge [sflag:s19], $0x4000  }
0xd3: {  	[sflag:s19] =	ssyncset.done $0x0  }
0xd4: {  	s0 =	simm.s32 $0x0;
	[sflag:s19] =	ssyncadd.s32 $0xFFFFC000  }
0xd5: {  	[tilespmem:s0], [sflag:$0x3] =	stream.linear.gather [hbm4b:s14+s0], $0x1400, $0x38;
	[tilespmem:$0x1E800] =	vst v63  }
0xd6: {  	_ =	swait.ge [sflag:s19], $0x1400  }
0xd7: {  	[sflag:s19] =	ssyncset.done $0x0  }
0xd8: {  	[sflag:s19] =	ssyncadd.s32 $0xFFFFEC00  }
0xd9: {  	[tilespmem:s20], [sflag:$0x3] =	stream.linear.gather [hbm4b:s16+s0], $0x1400, $0x38;
	[tilespmem:$0x1E800] =	vst v63  }
0xda: {  	_ =	swait.ge [sflag:s19], $0x1400  }
0xdb: {  	[sflag:s19] =	ssyncset.done $0x0  }
0xdc: {  	[sflag:s19] =	ssyncadd.s32 $0xFFFFEC00  }
0xdd: {  	[tilespmem:s22], [sflag:$0x1] =	stream.indirect.gather [hbm4b:s1+s21], $0x80, s0, s21, $0xb8;
	[tilespmem:$0x1E800] =	vst v63  }
0xde: {  	_ = 	snop  }
0xdf: {  	[tilespmem:s23], [sflag:$0x2] =	stream.indirect.gather [hbm4b:s1+s21], $0x80, s21, s21, $0xb8;
	[tilespmem:$0x1E800] =	vst v63  }
0xe0: {  	_ =	swait.ge [sflag:s24], $0x4000  }
0xe1: {  	[sflag:s24] =	ssyncset.done $0x0  }
0xe2: {  	s0 =	simm.s32 $0x1400;
	[sflag:s24] =	ssyncadd.s32 $0xFFFFC000  }
0xe3: {  	[spmem:s2] =	stream.indirect.scatter.add.f32 [tilespmem:s22], [sflag:$0x3], $0x80, s0, s21, $0xb8;
	[tilespmem:$0x1E800] =	vst v63  }
0xe4: {  	_ =	swait.ge [sflag:s19], $0x4000  }
0xe5: {  	[sflag:s19] =	ssyncset.done $0x0  }
0xe6: {  	s0 =	simm.s32 $0x100;
	[sflag:s19] =	ssyncadd.s32 $0xFFFFC000  }
0xe7: {  	[tilespmem:s22], [sflag:$0x1] =	stream.indirect.gather [hbm4b:s1+s21], $0x80, s0, s21, $0xb8;
	[tilespmem:$0x1E800] =	vst v63  }
0xe8: {  	_ =	swait.ge [sflag:s25], $0x4000  }
0xe9: {  	[sflag:s25] =	ssyncset.done $0x0  }
0xea: {  	s0 =	simm.s32 $0x1480;
	[sflag:s25] =	ssyncadd.s32 $0xFFFFC000  }
0xeb: {  	[spmem:s2] =	stream.indirect.scatter.add.f32 [tilespmem:s23], [sflag:$0x3], $0x80, s0, s21, $0xb8;
	[tilespmem:$0x1E800] =	vst v63  }
0xec: {  	_ =	swait.ge [sflag:s19], $0x4000  }
0xed: {  	[sflag:s19] =	ssyncset.done $0x0  }
0xee: {  	s30 =	simm.s32 $0x400;
	s31 =	simm.s32 $0x180;
	[sflag:s19] =	ssyncadd.s32 $0xFFFFC000  }
.LBB2_5:
0xef: {  	[tilespmem:s23], [sflag:$0x2] =	stream.indirect.gather [hbm4b:s1+s21], $0x80, s31, s21, $0xb8;
	[tilespmem:$0x1E800] =	vst v63  }
0xf0: {  	s0 =	smov.u32 s30  }
0xf1: {  	p1 =	sne.s32 s30, $0x4800;
	s30 =	sadd.s32 $0x400, s30;
	_ =	swait.ge [sflag:s24], $0x4000  }
0xf2: {  	s0 =	sshra.s32 s0, $0x2;
	[sflag:s24] =	ssyncset.done $0x0  }
0xf3: {  	s31 =	sadd.s32 $0x1400, s0;
	[sflag:s24] =	ssyncadd.s32 $0xFFFFC000  }
0xf4: {  	[spmem:s2] =	stream.indirect.scatter.add.f32 [tilespmem:s22], [sflag:$0x3], $0x80, s31, s21, $0xb8;
	[tilespmem:$0x1E800] =	vst v63  }
0xf5: {  	_ =	swait.ge [sflag:s19], $0x4000  }
0xf6: {  	[sflag:s19] =	ssyncset.done $0x0  }
0xf7: {  	s31 =	sadd.s32 $0x100, s0;
	[sflag:s19] =	ssyncadd.s32 $0xFFFFC000  }
0xf8: {  	[tilespmem:s22], [sflag:$0x1] =	stream.indirect.gather [hbm4b:s1+s21], $0x80, s31, s21, $0xb8;
	[tilespmem:$0x1E800] =	vst v63  }
0xf9: {  	_ =	swait.ge [sflag:s25], $0x4000  }
0xfa: {  	[sflag:s25] =	ssyncset.done $0x0  }
.Ltmp7:
0xfb: {  	s31 =	sadd.s32 $0x1480, s0;
	[sflag:s25] =	ssyncadd.s32 $0xFFFFC000;
	(pc) =	sbr.rel @p1 .LBB2_5-.Ltmp7, $4  }
0xfc: {  	[spmem:s2] =	stream.indirect.scatter.add.f32 [tilespmem:s23], [sflag:$0x3], $0x80, s31, s21, $0xb8;
	[tilespmem:$0x1E800] =	vst v63  }
0xfd: {  	_ =	swait.ge [sflag:s19], $0x4000  }
0xfe: {  	[sflag:s19] =	ssyncset.done $0x0  }
0xff: {  	s31 =	sadd.s32 $0x180, s0;
	[sflag:s19] =	ssyncadd.s32 $0xFFFFC000  }
0x100: {  	[tilespmem:s23], [sflag:$0x2] =	stream.indirect.gather [hbm4b:s1+s21], $0x80, s31, s21, $0xb8;
	[tilespmem:$0x1E800] =	vst v63  }
0x101: {  	_ =	swait.ge [sflag:s24], $0x4000  }
0x102: {  	[sflag:s24] =	ssyncset.done $0x0  }
0x103: {  	[sflag:s24] =	ssyncadd.s32 $0xFFFFC000  }
0x104: {  	[spmem:s2] =	stream.indirect.scatter.add.f32 [tilespmem:s22], [sflag:$0x3], $0x80, s26, s21, $0xb8;
	[tilespmem:$0x1E800] =	vst v63  }
0x105: {  	_ =	swait.ge [sflag:s19], $0x4000  }
0x106: {  	[sflag:s19] =	ssyncset.done $0x0  }
0x107: {  	[sflag:s19] =	ssyncadd.s32 $0xFFFFC000  }
0x108: {  	_ =	swait.ge [sflag:s25], $0x4000  }
0x109: {  	[sflag:s25] =	ssyncset.done $0x0  }
.Ltmp8:
0x10a: {  	[sflag:s25] =	ssyncadd.s32 $0xFFFFC000;
	(pc) =	sbr.rel .LBB2_12-.Ltmp8, $4  }
0x10b: {  	[spmem:s2] =	stream.indirect.scatter.add.f32 [tilespmem:s23], [sflag:$0x3], $0x80, s28, s21, $0xb8;
	[tilespmem:$0x1E800] =	vst v63  }
0x10c: {  	_ =	swait.ge [sflag:s19], $0x4000  }
0x10d: {  	[sflag:s19] =	ssyncset.done $0x0  }
0x10e: {  	s30 =	smov.u32 s6;
	[sflag:s19] =	ssyncadd.s32 $0xFFFFC000  }
.LBB2_13:
0x10f: {  	_ =	sfence.sel $0x180000  }
0x110: {  	[bflag:$0x0] =	sbarrier.arrive $0xFFFF  }
0x111: {  	_ =	strace $0x9000004A  }
0x112: {  	[bflag:$0x2] =	sbarrier.arrive $0xFFFF  }
0x113: {  	p0 =	sne.s32 s4, $0x0;
	s0 =	rddreg [dreg:$0x3]  }
0x114: {  	s0 =	sadd.s32 @!p0 $0x100000, s0  }
0x115: {  	[sflag:s0] =	ssyncadd.tile.s32 @!p0 $0x1;
	_ =	shalt  }
.Lfunc_end2:
_tile_overlayer_lowered:
.L_overlay_start_2:
0x116: {  	(tag) =	ssettag $0x2  }
0x117: {  	s0 =	rddreg [dreg:$0x0];
	s2 =	stileid.u32  }
0x118: {  	s1 =	rddreg [dreg:$0x1];
	p0 =	sne.s32 s2, $0x0  }
0x119: {  	s3 =	rddreg [dreg:$0x2];
	[bflag:$0x3] =	sbarrier.arrive $0xFFFF;
	s2 =	simm.s32 @!p0 $0x1C03  }
0x11a: {  	[timem:s3], [sflag:s2] =	dma.local @!p0 [hbm:s0], s1  }
0x11b: {  	s0 =	simm.s32 @!p0 $0x3  }
0x11c: {  	_ =	swait.ge @!p0 [sflag:s0], s1  }
0x11d: {  	s1 =	ssub.s32 @!p0 $0x0, s1;
	[sflag:s0] =	ssyncset.done @!p0 $0x0  }
0x11e: {  	[sflag:s0] =	ssyncadd.s32 @!p0 s1  }
0x11f: {  	[bflag:$0x3] =	sbarrier.arrive $0xFFFF  }
0x120: {  	_ =	shalt  }

</sc_bundles>
